<compile_context>
chip_gen: v7x
topology: tpu7x:2x2x1
jax: 0.10.2.dev20260603
libtpu: 0.0.44.dev20260713+nightly
codegen_flags: <defaults>
</compile_context>

<pallas_src>
import numpy as np
import jax
import jax.numpy as jnp
from jax import lax
from jax.experimental import pallas as pl
from jax.experimental.pallas import tpu as pltpu
from jax.experimental.pallas import tpu_sc as plsc

B = 8
N = 4096
D = 2048
K = 10
T = 128
NT = N // T

L = 16
WPR = 4
C = N // WPR
NV = C // L

_NEG = np.float32(-3.0e38)
_POS = np.float32(3.0e38)

_SORT_ROUNDS = []
for _k in (2, 4, 8, 16):
    _d = _k // 2
    while _d >= 1:
        _SORT_ROUNDS.append((_d, _k))
        _d //= 2
_CLEAN_ROUNDS = [8, 4, 2, 1]



def _tc_body(x_ref, wa_ref, ba_ref, scores_ref):
    scores_ref[...] = jnp.sum(x_ref[...] * wa_ref[...], axis=2) + ba_ref[0, 0]


def _tc_scores(x, wa, ba):
    return pl.pallas_call(
        _tc_body,
        grid=(NT,),
        in_specs=[
            pl.BlockSpec((B, T, D), lambda t: (0, t, 0)),
            pl.BlockSpec((1, 1, D), lambda t: (0, 0, 0)),
            pl.BlockSpec((1, 1), lambda t: (0, 0)),
        ],
        out_specs=pl.BlockSpec((B, T), lambda t: (0, t)),
        out_shape=jax.ShapeDtypeStruct((B, N), jnp.float32),
    )(x, wa, ba)



def _masks():
    lanes = lax.iota(jnp.int32, L)
    bit = {d: (lanes & d) != 0 for d in (1, 2, 4, 8)}
    blk = {k: (lanes & k) != 0 for k in (2, 4, 8, 16)}
    sort_tm = [(d, bit[d], jnp.logical_xor(bit[d], blk[k]))
               for d, k in _SORT_ROUNDS]
    clean_tm = [(d, bit[d], bit[d]) for d in _CLEAN_ROUNDS]
    return sort_tm, clean_tm


def _apply_rounds(v, rounds, buf):
    for d, bit_d, take_max in rounds:
        buf[pl.ds(L, L)] = v
        lm = buf[pl.ds(L - d, L)]
        lp = buf[pl.ds(L + d, L)]
        p = jnp.where(bit_d, lm, lp)
        v = jnp.where(take_max, jnp.maximum(v, p), jnp.minimum(v, p))
    return v


def _init_buf(buf):
    zeros = jnp.full((L,), np.float32(0.0), jnp.float32)
    buf[pl.ds(0, L)] = zeros
    buf[pl.ds(2 * L, L)] = zeros



def _sc_body(scores_hbm, wt_hbm, wb_hbm, bc_hbm, ctop_hbm, cbot_hbm, out_hbm,
             chunk_v, stage_top, stage_bot, ct_v, cb_v,
             wt_v, wb_v, bc_v, outv, buf, buf2, buf3, buf4, buf5, buf6):
    c = lax.axis_index("c")
    s = lax.axis_index("s")
    r = c * (B // 2) + s // WPR
    q = s % WPR

    pltpu.sync_copy(scores_hbm.at[r, pl.ds(q * C, C)], chunk_v)

    sort_tm, clean_tm = _masks()
    for b in (buf, buf2, buf3, buf4, buf5, buf6):
        _init_buf(b)

    top0 = jnp.full((L,), _NEG, jnp.float32)
    bot0 = jnp.full((L,), _POS, jnp.float32)

    def body(i, carry):
        top, bot = carry
        v1 = _apply_rounds(chunk_v[pl.ds((2 * i) * L, L)], sort_tm, buf)
        v2 = _apply_rounds(chunk_v[pl.ds((2 * i + 1) * L, L)], sort_tm, buf2)
        rv1 = lax.rev(v1, (0,))
        rv2 = lax.rev(v2, (0,))
        top = _apply_rounds(jnp.maximum(top, rv1), clean_tm, buf3)
        bot = _apply_rounds(jnp.minimum(bot, rv1), clean_tm, buf4)
        top = _apply_rounds(jnp.maximum(top, rv2), clean_tm, buf5)
        bot = _apply_rounds(jnp.minimum(bot, rv2), clean_tm, buf6)
        return (top, bot)

    top, bot = lax.fori_loop(0, NV // 2, body, (top0, bot0))

    stage_top[...] = top
    stage_bot[...] = bot
    pltpu.sync_copy(stage_top, ctop_hbm.at[r, q])
    pltpu.sync_copy(stage_bot, cbot_hbm.at[r, q])
    plsc.subcore_barrier()
    plsc.subcore_barrier()

    @pl.when(q == 0)
    def _leader():
        pltpu.sync_copy(ctop_hbm.at[r], ct_v)
        pltpu.sync_copy(cbot_hbm.at[r], cb_v)
        pltpu.sync_copy(wt_hbm, wt_v)
        pltpu.sync_copy(wb_hbm, wb_v)
        pltpu.sync_copy(bc_hbm, bc_v)

        m_top = ct_v[0]
        m_bot = cb_v[0]
        for j in range(1, WPR):
            rv = lax.rev(ct_v[j], (0,))
            m_top = _apply_rounds(jnp.maximum(m_top, rv), clean_tm, buf)
            rv = lax.rev(cb_v[j], (0,))
            m_bot = _apply_rounds(jnp.minimum(m_bot, rv), clean_tm, buf)

        outv[...] = m_top * wt_v[...] + m_bot * wb_v[...] + bc_v[...]
        pltpu.sync_copy(outv, out_hbm.at[r])


def _sc_select(scores, wt, wb, bc):
    mesh = plsc.VectorSubcoreMesh(core_axis_name="c", subcore_axis_name="s")
    kfn = pl.kernel(
        _sc_body,
        mesh=mesh,
        out_type=[
            jax.ShapeDtypeStruct((B, WPR, L), jnp.float32),
            jax.ShapeDtypeStruct((B, WPR, L), jnp.float32),
            jax.ShapeDtypeStruct((B, L), jnp.float32),
        ],
        scratch_types=[
            pltpu.VMEM((C,), jnp.float32),
            pltpu.VMEM((L,), jnp.float32),
            pltpu.VMEM((L,), jnp.float32),
            pltpu.VMEM((WPR, L), jnp.float32),
            pltpu.VMEM((WPR, L), jnp.float32),
            pltpu.VMEM((L,), jnp.float32),
            pltpu.VMEM((L,), jnp.float32),
            pltpu.VMEM((L,), jnp.float32),
            pltpu.VMEM((L,), jnp.float32),
            pltpu.VMEM((3 * L,), jnp.float32),
            pltpu.VMEM((3 * L,), jnp.float32),
            pltpu.VMEM((3 * L,), jnp.float32),
            pltpu.VMEM((3 * L,), jnp.float32),
            pltpu.VMEM((3 * L,), jnp.float32),
            pltpu.VMEM((3 * L,), jnp.float32),
        ],
    )
    _, _, out16 = kfn(scores, wt, wb, bc)
    return out16


def kernel(x, W_attn, b_attn, W_cls, b_cls):
    wa = W_attn.reshape(1, 1, D)
    ba = b_attn.reshape(1, 1)

    idx = np.arange(L)
    wt = jnp.where(idx >= L - K, W_cls[np.clip(15 - idx, 0, 2 * K - 1)], 0.0)
    wb = jnp.where(idx < K, W_cls[np.clip(K + idx, 0, 2 * K - 1)], 0.0)
    bc = jnp.pad(b_cls, (0, L - 1)).astype(jnp.float32)

    scores = _tc_scores(x, wa, ba)
    out16 = _sc_select(scores, wt.astype(jnp.float32),
                       wb.astype(jnp.float32), bc)
    pred = jnp.sum(out16, axis=1, keepdims=True)
    return (pred, scores)

# --- scband reference (transcript-rebuilt; emitter-appended) ---
"""Pipeline reference for scband-chowder-57921928953931 (READ-ONLY COPY).

The authoritative reference and input builder live on the scoring server;
editing this copy changes nothing except your own understanding.
"""

import jax, jax.numpy as jnp
import numpy as np

FEATURE_DIM = 2048
N_TOP = 10
N_BOTTOM = 10

def setup_inputs(seed: int = 0) -> dict:
    key = jax.random.key(seed)
    k1, k2, k3, k4, k5 = jax.random.split(key, 5)
    x = jax.random.normal(k1, (8, 4096, FEATURE_DIM), dtype=jnp.float32)
    # Conv1d(in=feature_dim, out=1, kernel=1) == linear projection over feature dim
    W_attn = jax.random.normal(k2, (FEATURE_DIM,), dtype=jnp.float32) * (1.0 / np.sqrt(FEATURE_DIM))
    b_attn = jax.random.normal(k3, (1,), dtype=jnp.float32) * 0.01
    W_cls = jax.random.normal(k4, (N_TOP + N_BOTTOM,), dtype=jnp.float32) * (1.0 / np.sqrt(N_TOP + N_BOTTOM))
    b_cls = jax.random.normal(k5, (1,), dtype=jnp.float32) * 0.01
    return {"x": x, "W_attn": W_attn, "b_attn": b_attn, "W_cls": W_cls, "b_cls": b_cls}

def reference(x, W_attn, b_attn, W_cls, b_cls):
    # x: [B, N, D]; torch transposes to [B, D, N] then applies Conv1d(k=1) -> [B, 1, N]
    # equivalent to a per-tile linear projection over the feature dim
    scores = jnp.einsum('bnd,d->bn', x, W_attn) + b_attn[0]  # [B, N]
    top, _ = jax.lax.top_k(scores, N_TOP)                      # descending, matches torch topk
    neg_bottom, _ = jax.lax.top_k(-scores, N_BOTTOM)
    bottom = -neg_bottom                                        # ascending smallest, matches torch topk(largest=False)
    extreme_scores = jnp.concatenate([top, bottom], axis=1)    # [B, n_top+n_bottom]
    prediction = jnp.einsum('bk,k->b', extreme_scores, W_cls)[:, None] + b_cls[0]  # [B, 1]
    return (prediction, scores)

if __name__ == "__main__":
    import jax
    _d = setup_inputs()
    print(jax.jit(kernel)(*tuple(_d.values())))

</pallas_src>

<mosaic_0001>
#map = affine_map<(d0, d1) -> (0, 0)>
#map1 = affine_map<(d0, d1) -> (0)>
#map2 = affine_map<(d0, d1) -> (0, 0, 0)>
module attributes {stable_mosaic.version = 14 : i64} {
  func.func @_sc_body(%arg0: i32, %arg1: i32, %arg2: memref<8x4096xf32, #tpu.memory_space<hbm>>, %arg3: memref<16xf32, #tpu.memory_space<hbm>>, %arg4: memref<16xf32, #tpu.memory_space<hbm>>, %arg5: memref<16xf32, #tpu.memory_space<hbm>>, %arg6: memref<8x4x16xf32, #tpu.memory_space<hbm>>, %arg7: memref<8x4x16xf32, #tpu.memory_space<hbm>>, %arg8: memref<8x16xf32, #tpu.memory_space<hbm>>, %arg9: memref<1024xf32, #tpu.memory_space<vmem>>, %arg10: memref<16xf32, #tpu.memory_space<vmem>>, %arg11: memref<16xf32, #tpu.memory_space<vmem>>, %arg12: memref<4x16xf32, #tpu.memory_space<vmem>>, %arg13: memref<4x16xf32, #tpu.memory_space<vmem>>, %arg14: memref<16xf32, #tpu.memory_space<vmem>>, %arg15: memref<16xf32, #tpu.memory_space<vmem>>, %arg16: memref<16xf32, #tpu.memory_space<vmem>>, %arg17: memref<16xf32, #tpu.memory_space<vmem>>, %arg18: memref<48xf32, #tpu.memory_space<vmem>>, %arg19: memref<48xf32, #tpu.memory_space<vmem>>, %arg20: memref<48xf32, #tpu.memory_space<vmem>>, %arg21: memref<48xf32, #tpu.memory_space<vmem>>, %arg22: memref<48xf32, #tpu.memory_space<vmem>>, %arg23: memref<48xf32, #tpu.memory_space<vmem>>) attributes {dimension_semantics = [#tpu.dimension_semantics<core_parallel>, #tpu.dimension_semantics<subcore_parallel>], iteration_bounds = array<i64: 2, 16>, scalar_prefetch = 0 : i64, scratch_operands = 15 : i64, tpu.core_type = #tpu.core_type<sc_vector_subcore>, window_params = [{transform_indices = #map}, {transform_indices = #map1}, {transform_indices = #map1}, {transform_indices = #map1}, {transform_indices = #map2}, {transform_indices = #map2}, {transform_indices = #map}]} {
    %mul3A = arith.constant 4 : i32
    %mul3A_0 = arith.muli %arg0, %mul3A : i32
    %jit3A = arith.constant 4 : i32
    %div3A = arith.divsi %arg1, %jit3A : i32
    %sign3A = arith.constant 0 : i32
    %sign3A_1 = arith.cmpi sgt, %arg1, %sign3A : i32
    %sign3A_2 = arith.extui %sign3A_1 : i1 to i32
    %sign3A_3 = arith.constant 0 : i32
    %sign3A_4 = arith.cmpi slt, %arg1, %sign3A_3 : i32
    %sign3A_5 = arith.extui %sign3A_4 : i1 to i32
    %sign3A_6 = arith.subi %sign3A_2, %sign3A_5 : i32
    %sign3A_7 = arith.constant 0 : i32
    %sign3A_8 = arith.cmpi sgt, %jit3A, %sign3A_7 : i32
    %sign3A_9 = arith.extui %sign3A_8 : i1 to i32
    %sign3A_10 = arith.constant 0 : i32
    %sign3A_11 = arith.cmpi slt, %jit3A, %sign3A_10 : i32
    %sign3A_12 = arith.extui %sign3A_11 : i1 to i32
    %sign3A_13 = arith.subi %sign3A_9, %sign3A_12 : i32
    %ne3A = arith.cmpi ne, %sign3A_6, %sign3A_13 : i32
    %rem3A = arith.remsi %arg1, %jit3A : i32
    %ne3A_14 = arith.constant 0 : i32
    %ne3A_15 = arith.cmpi ne, %rem3A, %ne3A_14 : i32
    %and3A = arith.andi %ne3A, %ne3A_15 : i1
    %sub3A = arith.constant 1 : i32
    %sub3A_16 = arith.subi %div3A, %sub3A : i32
    %select_n3A = arith.select %and3A, %sub3A_16, %div3A : i32
    %add3A = arith.addi %mul3A_0, %select_n3A : i32
    %jit3A_17 = arith.constant 4 : i32
    %eq3A = arith.constant 0 : i32
    %eq3A_18 = arith.cmpi eq, %jit3A_17, %eq3A : i32
    %jit3A_19 = arith.constant 1 : i32
    %select_n3A_20 = arith.select %eq3A_18, %jit3A_19, %jit3A_17 : i32
    %rem3A_21 = arith.remsi %arg1, %select_n3A_20 : i32
    %ne3A_22 = arith.constant 0 : i32
    %ne3A_23 = arith.cmpi ne, %rem3A_21, %ne3A_22 : i32
    %lt3A = arith.constant 0 : i32
    %lt3A_24 = arith.cmpi slt, %rem3A_21, %lt3A : i32
    %lt3A_25 = arith.constant 0 : i32
    %lt3A_26 = arith.cmpi slt, %select_n3A_20, %lt3A_25 : i32
    %ne3A_27 = arith.xori %lt3A_24, %lt3A_26 : i1
    %and3A_28 = arith.andi %ne3A_27, %ne3A_23 : i1
    %add3A_29 = arith.addi %rem3A_21, %select_n3A_20 : i32
    %select_n3A_30 = arith.select %and3A_28, %add3A_29, %rem3A_21 : i32
    %mul3A_31 = arith.constant 1024 : i32
    %mul3A_32 = arith.muli %select_n3A_30, %mul3A_31 : i32
    "tpu.region"() ({
      %run_scoped3A = tpu.sem_alloc : memref<!tpu.dma_semaphore, #tpu.memory_space<semaphore_mem>>
      %dma_start3A = tpu.memref_slice %arg2[%add3A, %mul3A_32] : memref<8x4096xf32, #tpu.memory_space<hbm>> -> memref<1x1024xf32, #tpu.memory_space<hbm>>
      %dma_start3A_169 = tpu.memref_squeeze %dma_start3A : memref<1x1024xf32, #tpu.memory_space<hbm>> -> memref<1024xf32, #tpu.memory_space<hbm>>
      %dma_start3A_170 = tpu.memref_slice %arg2[%add3A, %mul3A_32] : memref<8x4096xf32, #tpu.memory_space<hbm>> -> memref<1x1024xf32, #tpu.memory_space<hbm>>
      %dma_start3A_171 = tpu.memref_squeeze %dma_start3A_170 : memref<1x1024xf32, #tpu.memory_space<hbm>> -> memref<1024xf32, #tpu.memory_space<hbm>>
      tpu.enqueue_dma source(%dma_start3A_171 : memref<1024xf32, #tpu.memory_space<hbm>>) target(%arg9 : memref<1024xf32, #tpu.memory_space<vmem>>) target_semaphore(%run_scoped3A : memref<!tpu.dma_semaphore, #tpu.memory_space<semaphore_mem>>)
      %dma_wait3A = tpu.memref_slice %arg2[%add3A, %mul3A_32] : memref<8x4096xf32, #tpu.memory_space<hbm>> -> memref<1x1024xf32, #tpu.memory_space<hbm>>
      %dma_wait3A_172 = tpu.memref_squeeze %dma_wait3A : memref<1x1024xf32, #tpu.memory_space<hbm>> -> memref<1024xf32, #tpu.memory_space<hbm>>
      %dma_wait3A_173 = tpu.memref_slice %arg2[%add3A, %mul3A_32] : memref<8x4096xf32, #tpu.memory_space<hbm>> -> memref<1x1024xf32, #tpu.memory_space<hbm>>
      %dma_wait3A_174 = tpu.memref_squeeze %dma_wait3A_173 : memref<1x1024xf32, #tpu.memory_space<hbm>> -> memref<1024xf32, #tpu.memory_space<hbm>>
      tpu.wait_dma2 semaphore(%run_scoped3A : memref<!tpu.dma_semaphore, #tpu.memory_space<semaphore_mem>>) src(%dma_wait3A_174 : memref<1024xf32, #tpu.memory_space<hbm>>) dst(%arg9 : memref<1024xf32, #tpu.memory_space<vmem>>)
      tpu.yield
    }) : () -> ()
    %iota3A = tpu.iota {dimensions = array<i32: 0>} : vector<16xi32>
    %and3A_33 = arith.constant 1 : i32
    %and3A_34 = vector.broadcast %and3A_33 : i32 to vector<16xi32>
    %and3A_35 = arith.andi %iota3A, %and3A_34 : vector<16xi32>
    %ne3A_36 = arith.constant 0 : i32
    %ne3A_37 = vector.broadcast %ne3A_36 : i32 to vector<16xi32>
    %ne3A_38 = arith.cmpi ne, %and3A_35, %ne3A_37 : vector<16xi32>
    %and3A_39 = arith.constant 2 : i32
    %and3A_40 = vector.broadcast %and3A_39 : i32 to vector<16xi32>
    %and3A_41 = arith.andi %iota3A, %and3A_40 : vector<16xi32>
    %ne3A_42 = arith.constant 0 : i32
    %ne3A_43 = vector.broadcast %ne3A_42 : i32 to vector<16xi32>
    %ne3A_44 = arith.cmpi ne, %and3A_41, %ne3A_43 : vector<16xi32>
    %and3A_45 = arith.constant 4 : i32
    %and3A_46 = vector.broadcast %and3A_45 : i32 to vector<16xi32>
    %and3A_47 = arith.andi %iota3A, %and3A_46 : vector<16xi32>
    %ne3A_48 = arith.constant 0 : i32
    %ne3A_49 = vector.broadcast %ne3A_48 : i32 to vector<16xi32>
    %ne3A_50 = arith.cmpi ne, %and3A_47, %ne3A_49 : vector<16xi32>
    %and3A_51 = arith.constant 8 : i32
    %and3A_52 = vector.broadcast %and3A_51 : i32 to vector<16xi32>
    %and3A_53 = arith.andi %iota3A, %and3A_52 : vector<16xi32>
    %ne3A_54 = arith.constant 0 : i32
    %ne3A_55 = vector.broadcast %ne3A_54 : i32 to vector<16xi32>
    %ne3A_56 = arith.cmpi ne, %and3A_53, %ne3A_55 : vector<16xi32>
    %and3A_57 = arith.constant 2 : i32
    %and3A_58 = vector.broadcast %and3A_57 : i32 to vector<16xi32>
    %and3A_59 = arith.andi %iota3A, %and3A_58 : vector<16xi32>
    %ne3A_60 = arith.constant 0 : i32
    %ne3A_61 = vector.broadcast %ne3A_60 : i32 to vector<16xi32>
    %ne3A_62 = arith.cmpi ne, %and3A_59, %ne3A_61 : vector<16xi32>
    %and3A_63 = arith.constant 4 : i32
    %and3A_64 = vector.broadcast %and3A_63 : i32 to vector<16xi32>
    %and3A_65 = arith.andi %iota3A, %and3A_64 : vector<16xi32>
    %ne3A_66 = arith.constant 0 : i32
    %ne3A_67 = vector.broadcast %ne3A_66 : i32 to vector<16xi32>
    %ne3A_68 = arith.cmpi ne, %and3A_65, %ne3A_67 : vector<16xi32>
    %and3A_69 = arith.constant 8 : i32
    %and3A_70 = vector.broadcast %and3A_69 : i32 to vector<16xi32>
    %and3A_71 = arith.andi %iota3A, %and3A_70 : vector<16xi32>
    %ne3A_72 = arith.constant 0 : i32
    %ne3A_73 = vector.broadcast %ne3A_72 : i32 to vector<16xi32>
    %ne3A_74 = arith.cmpi ne, %and3A_71, %ne3A_73 : vector<16xi32>
    %and3A_75 = arith.constant 16 : i32
    %and3A_76 = vector.broadcast %and3A_75 : i32 to vector<16xi32>
    %and3A_77 = arith.andi %iota3A, %and3A_76 : vector<16xi32>
    %ne3A_78 = arith.constant 0 : i32
    %ne3A_79 = vector.broadcast %ne3A_78 : i32 to vector<16xi32>
    %ne3A_80 = arith.cmpi ne, %and3A_77, %ne3A_79 : vector<16xi32>
    %xor3A = arith.xori %ne3A_38, %ne3A_62 : vector<16xi1>
    %xor3A_81 = arith.xori %ne3A_44, %ne3A_68 : vector<16xi1>
    %xor3A_82 = arith.xori %ne3A_38, %ne3A_68 : vector<16xi1>
    %xor3A_83 = arith.xori %ne3A_50, %ne3A_74 : vector<16xi1>
    %xor3A_84 = arith.xori %ne3A_44, %ne3A_74 : vector<16xi1>
    %xor3A_85 = arith.xori %ne3A_38, %ne3A_74 : vector<16xi1>
    %xor3A_86 = arith.xori %ne3A_56, %ne3A_80 : vector<16xi1>
    %xor3A_87 = arith.xori %ne3A_50, %ne3A_80 : vector<16xi1>
    %xor3A_88 = arith.xori %ne3A_44, %ne3A_80 : vector<16xi1>
    %xor3A_89 = arith.xori %ne3A_38, %ne3A_80 : vector<16xi1>
    %broadcast_in_dim3A = arith.constant 0.000000e+00 : f32
    %broadcast_in_dim3A_90 = vector.broadcast %broadcast_in_dim3A : f32 to vector<16xf32>
    %swap3A = arith.constant 0 : index
    %swap3A_91 = tpu.vector_load %arg18[%swap3A] {strides = array<i32>} : memref<48xf32, #tpu.memory_space<vmem>>, vector<16xf32>,
    %swap3A_92 = vector.shape_cast %swap3A_91 : vector<16xf32> to vector<16xf32>
    %swap3A_93 = vector.shape_cast %broadcast_in_dim3A_90 : vector<16xf32> to vector<16xf32>
    tpu.vector_store %arg18[%swap3A], %swap3A_93 {strides = array<i32>} : memref<48xf32, #tpu.memory_space<vmem>>, vector<16xf32>,
    %swap3A_94 = arith.constant 32 : index
    %swap3A_95 = tpu.vector_load %arg18[%swap3A_94] {strides = array<i32>} : memref<48xf32, #tpu.memory_space<vmem>>, vector<16xf32>,
    %swap3A_96 = vector.shape_cast %swap3A_95 : vector<16xf32> to vector<16xf32>
    %swap3A_97 = vector.shape_cast %broadcast_in_dim3A_90 : vector<16xf32> to vector<16xf32>
    tpu.vector_store %arg18[%swap3A_94], %swap3A_97 {strides = array<i32>} : memref<48xf32, #tpu.memory_space<vmem>>, vector<16xf32>,
    %broadcast_in_dim3A_98 = arith.constant 0.000000e+00 : f32
    %broadcast_in_dim3A_99 = vector.broadcast %broadcast_in_dim3A_98 : f32 to vector<16xf32>
    %swap3A_100 = arith.constant 0 : index
    %swap3A_101 = tpu.vector_load %arg19[%swap3A_100] {strides = array<i32>} : memref<48xf32, #tpu.memory_space<vmem>>, vector<16xf32>,
    %swap3A_102 = vector.shape_cast %swap3A_101 : vector<16xf32> to vector<16xf32>
    %swap3A_103 = vector.shape_cast %broadcast_in_dim3A_99 : vector<16xf32> to vector<16xf32>
    tpu.vector_store %arg19[%swap3A_100], %swap3A_103 {strides = array<i32>} : memref<48xf32, #tpu.memory_space<vmem>>, vector<16xf32>,
    %swap3A_104 = arith.constant 32 : index
    %swap3A_105 = tpu.vector_load %arg19[%swap3A_104] {strides = array<i32>} : memref<48xf32, #tpu.memory_space<vmem>>, vector<16xf32>,
    %swap3A_106 = vector.shape_cast %swap3A_105 : vector<16xf32> to vector<16xf32>
    %swap3A_107 = vector.shape_cast %broadcast_in_dim3A_99 : vector<16xf32> to vector<16xf32>
    tpu.vector_store %arg19[%swap3A_104], %swap3A_107 {strides = array<i32>} : memref<48xf32, #tpu.memory_space<vmem>>, vector<16xf32>,
    %broadcast_in_dim3A_108 = arith.constant 0.000000e+00 : f32
    %broadcast_in_dim3A_109 = vector.broadcast %broadcast_in_dim3A_108 : f32 to vector<16xf32>
    %swap3A_110 = arith.constant 0 : index
    %swap3A_111 = tpu.vector_load %arg20[%swap3A_110] {strides = array<i32>} : memref<48xf32, #tpu.memory_space<vmem>>, vector<16xf32>,
    %swap3A_112 = vector.shape_cast %swap3A_111 : vector<16xf32> to vector<16xf32>
    %swap3A_113 = vector.shape_cast %broadcast_in_dim3A_109 : vector<16xf32> to vector<16xf32>
    tpu.vector_store %arg20[%swap3A_110], %swap3A_113 {strides = array<i32>} : memref<48xf32, #tpu.memory_space<vmem>>, vector<16xf32>,
    %swap3A_114 = arith.constant 32 : index
    %swap3A_115 = tpu.vector_load %arg20[%swap3A_114] {strides = array<i32>} : memref<48xf32, #tpu.memory_space<vmem>>, vector<16xf32>,
    %swap3A_116 = vector.shape_cast %swap3A_115 : vector<16xf32> to vector<16xf32>
    %swap3A_117 = vector.shape_cast %broadcast_in_dim3A_109 : vector<16xf32> to vector<16xf32>
    tpu.vector_store %arg20[%swap3A_114], %swap3A_117 {strides = array<i32>} : memref<48xf32, #tpu.memory_space<vmem>>, vector<16xf32>,
    %broadcast_in_dim3A_118 = arith.constant 0.000000e+00 : f32
    %broadcast_in_dim3A_119 = vector.broadcast %broadcast_in_dim3A_118 : f32 to vector<16xf32>
    %swap3A_120 = arith.constant 0 : index
    %swap3A_121 = tpu.vector_load %arg21[%swap3A_120] {strides = array<i32>} : memref<48xf32, #tpu.memory_space<vmem>>, vector<16xf32>,
    %swap3A_122 = vector.shape_cast %swap3A_121 : vector<16xf32> to vector<16xf32>
    %swap3A_123 = vector.shape_cast %broadcast_in_dim3A_119 : vector<16xf32> to vector<16xf32>
    tpu.vector_store %arg21[%swap3A_120], %swap3A_123 {strides = array<i32>} : memref<48xf32, #tpu.memory_space<vmem>>, vector<16xf32>,
    %swap3A_124 = arith.constant 32 : index
    %swap3A_125 = tpu.vector_load %arg21[%swap3A_124] {strides = array<i32>} : memref<48xf32, #tpu.memory_space<vmem>>, vector<16xf32>,
    %swap3A_126 = vector.shape_cast %swap3A_125 : vector<16xf32> to vector<16xf32>
    %swap3A_127 = vector.shape_cast %broadcast_in_dim3A_119 : vector<16xf32> to vector<16xf32>
    tpu.vector_store %arg21[%swap3A_124], %swap3A_127 {strides = array<i32>} : memref<48xf32, #tpu.memory_space<vmem>>, vector<16xf32>,
    %broadcast_in_dim3A_128 = arith.constant 0.000000e+00 : f32
    %broadcast_in_dim3A_129 = vector.broadcast %broadcast_in_dim3A_128 : f32 to vector<16xf32>
    %swap3A_130 = arith.constant 0 : index
    %swap3A_131 = tpu.vector_load %arg22[%swap3A_130] {strides = array<i32>} : memref<48xf32, #tpu.memory_space<vmem>>, vector<16xf32>,
    %swap3A_132 = vector.shape_cast %swap3A_131 : vector<16xf32> to vector<16xf32>
    %swap3A_133 = vector.shape_cast %broadcast_in_dim3A_129 : vector<16xf32> to vector<16xf32>
    tpu.vector_store %arg22[%swap3A_130], %swap3A_133 {strides = array<i32>} : memref<48xf32, #tpu.memory_space<vmem>>, vector<16xf32>,
    %swap3A_134 = arith.constant 32 : index
    %swap3A_135 = tpu.vector_load %arg22[%swap3A_134] {strides = array<i32>} : memref<48xf32, #tpu.memory_space<vmem>>, vector<16xf32>,
    %swap3A_136 = vector.shape_cast %swap3A_135 : vector<16xf32> to vector<16xf32>
    %swap3A_137 = vector.shape_cast %broadcast_in_dim3A_129 : vector<16xf32> to vector<16xf32>
    tpu.vector_store %arg22[%swap3A_134], %swap3A_137 {strides = array<i32>} : memref<48xf32, #tpu.memory_space<vmem>>, vector<16xf32>,
    %broadcast_in_dim3A_138 = arith.constant 0.000000e+00 : f32
    %broadcast_in_dim3A_139 = vector.broadcast %broadcast_in_dim3A_138 : f32 to vector<16xf32>
    %swap3A_140 = arith.constant 0 : index
    %swap3A_141 = tpu.vector_load %arg23[%swap3A_140] {strides = array<i32>} : memref<48xf32, #tpu.memory_space<vmem>>, vector<16xf32>,
    %swap3A_142 = vector.shape_cast %swap3A_141 : vector<16xf32> to vector<16xf32>
    %swap3A_143 = vector.shape_cast %broadcast_in_dim3A_139 : vector<16xf32> to vector<16xf32>
    tpu.vector_store %arg23[%swap3A_140], %swap3A_143 {strides = array<i32>} : memref<48xf32, #tpu.memory_space<vmem>>, vector<16xf32>,
    %swap3A_144 = arith.constant 32 : index
    %swap3A_145 = tpu.vector_load %arg23[%swap3A_144] {strides = array<i32>} : memref<48xf32, #tpu.memory_space<vmem>>, vector<16xf32>,
    %swap3A_146 = vector.shape_cast %swap3A_145 : vector<16xf32> to vector<16xf32>
    %swap3A_147 = vector.shape_cast %broadcast_in_dim3A_139 : vector<16xf32> to vector<16xf32>
    tpu.vector_store %arg23[%swap3A_144], %swap3A_147 {strides = array<i32>} : memref<48xf32, #tpu.memory_space<vmem>>, vector<16xf32>,
    %broadcast_in_dim3A_148 = arith.constant -3.000000e+38 : f32
    %broadcast_in_dim3A_149 = vector.broadcast %broadcast_in_dim3A_148 : f32 to vector<16xf32>
    %broadcast_in_dim3A_150 = arith.constant 3.000000e+38 : f32
    %broadcast_in_dim3A_151 = vector.broadcast %broadcast_in_dim3A_150 : f32 to vector<16xf32>
    %scan3A = arith.constant 0 : i32
    %scan3A_152 = arith.constant 32 : i32
    %scan3A_153 = arith.addi %scan3A, %scan3A_152 : i32
    %scan3A_154 = arith.constant 1 : i32
    %scan3A_155:2 = scf.for %scan3A_169 = %scan3A to %scan3A_153 step %scan3A_154 iter_args(%scan3A_170 = %broadcast_in_dim3A_149, %scan3A_171 = %broadcast_in_dim3A_151) -> (vector<16xf32>, vector<16xf32>)  : i32 {
      %mul3A_172 = arith.constant 2 : i32
      %mul3A_173 = arith.muli %mul3A_172, %scan3A_169 : i32
      %mul3A_174 = arith.constant 16 : i32
      %mul3A_175 = arith.muli %mul3A_173, %mul3A_174 : i32
      %get3A = arith.index_cast %mul3A_175 : i32 to index
      %get3A_176 = tpu.vector_load %arg9[%get3A] {strides = array<i32>} : memref<1024xf32, #tpu.memory_space<vmem>>, vector<16xf32>,
      %get3A_177 = vector.shape_cast %get3A_176 : vector<16xf32> to vector<16xf32>
      %swap3A_178 = arith.constant 16 : index
      %swap3A_179 = tpu.vector_load %arg18[%swap3A_178] {strides = array<i32>} : memref<48xf32, #tpu.memory_space<vmem>>, vector<16xf32>,
      %swap3A_180 = vector.shape_cast %swap3A_179 : vector<16xf32> to vector<16xf32>
      %swap3A_181 = vector.shape_cast %get3A_177 : vector<16xf32> to vector<16xf32>
      tpu.vector_store %arg18[%swap3A_178], %swap3A_181 {strides = array<i32>} : memref<48xf32, #tpu.memory_space<vmem>>, vector<16xf32>,
      %get3A_182 = arith.constant 15 : index
      %get3A_183 = tpu.vector_load %arg18[%get3A_182] {strides = array<i32>} : memref<48xf32, #tpu.memory_space<vmem>>, vector<16xf32>,
      %get3A_184 = vector.shape_cast %get3A_183 : vector<16xf32> to vector<16xf32>
      %get3A_185 = arith.constant 17 : index
      %get3A_186 = tpu.vector_load %arg18[%get3A_185] {strides = array<i32>} : memref<48xf32, #tpu.memory_space<vmem>>, vector<16xf32>,
      %get3A_187 = vector.shape_cast %get3A_186 : vector<16xf32> to vector<16xf32>
      %select_n3A_188 = arith.select %ne3A_38, %get3A_184, %get3A_187 : vector<16xi1>, vector<16xf32>
      %max3A = arith.maximumf %get3A_177, %select_n3A_188 : vector<16xf32>
      %min3A = arith.minimumf %get3A_177, %select_n3A_188 : vector<16xf32>
      %select_n3A_189 = arith.select %xor3A, %max3A, %min3A : vector<16xi1>, vector<16xf32>
      %swap3A_190 = arith.constant 16 : index
      %swap3A_191 = tpu.vector_load %arg18[%swap3A_190] {strides = array<i32>} : memref<48xf32, #tpu.memory_space<vmem>>, vector<16xf32>,
      %swap3A_192 = vector.shape_cast %swap3A_191 : vector<16xf32> to vector<16xf32>
      %swap3A_193 = vector.shape_cast %select_n3A_189 : vector<16xf32> to vector<16xf32>
      tpu.vector_store %arg18[%swap3A_190], %swap3A_193 {strides = array<i32>} : memref<48xf32, #tpu.memory_space<vmem>>, vector<16xf32>,
      %get3A_194 = arith.constant 14 : index
      %get3A_195 = tpu.vector_load %arg18[%get3A_194] {strides = array<i32>} : memref<48xf32, #tpu.memory_space<vmem>>, vector<16xf32>,
      %get3A_196 = vector.shape_cast %get3A_195 : vector<16xf32> to vector<16xf32>
      %get3A_197 = arith.constant 18 : index
      %get3A_198 = tpu.vector_load %arg18[%get3A_197] {strides = array<i32>} : memref<48xf32, #tpu.memory_space<vmem>>, vector<16xf32>,
      %get3A_199 = vector.shape_cast %get3A_198 : vector<16xf32> to vector<16xf32>
      %select_n3A_200 = arith.select %ne3A_44, %get3A_196, %get3A_199 : vector<16xi1>, vector<16xf32>
      %max3A_201 = arith.maximumf %select_n3A_189, %select_n3A_200 : vector<16xf32>
      %min3A_202 = arith.minimumf %select_n3A_189, %select_n3A_200 : vector<16xf32>
      %select_n3A_203 = arith.select %xor3A_81, %max3A_201, %min3A_202 : vector<16xi1>, vector<16xf32>
      %swap3A_204 = arith.constant 16 : index
      %swap3A_205 = tpu.vector_load %arg18[%swap3A_204] {strides = array<i32>} : memref<48xf32, #tpu.memory_space<vmem>>, vector<16xf32>,
      %swap3A_206 = vector.shape_cast %swap3A_205 : vector<16xf32> to vector<16xf32>
      %swap3A_207 = vector.shape_cast %select_n3A_203 : vector<16xf32> to vector<16xf32>
      tpu.vector_store %arg18[%swap3A_204], %swap3A_207 {strides = array<i32>} : memref<48xf32, #tpu.memory_space<vmem>>, vector<16xf32>,
      %get3A_208 = arith.constant 15 : index
      %get3A_209 = tpu.vector_load %arg18[%get3A_208] {strides = array<i32>} : memref<48xf32, #tpu.memory_space<vmem>>, vector<16xf32>,
      %get3A_210 = vector.shape_cast %get3A_209 : vector<16xf32> to vector<16xf32>
      %get3A_211 = arith.constant 17 : index
      %get3A_212 = tpu.vector_load %arg18[%get3A_211] {strides = array<i32>} : memref<48xf32, #tpu.memory_space<vmem>>, vector<16xf32>,
      %get3A_213 = vector.shape_cast %get3A_212 : vector<16xf32> to vector<16xf32>
      %select_n3A_214 = arith.select %ne3A_38, %get3A_210, %get3A_213 : vector<16xi1>, vector<16xf32>
      %max3A_215 = arith.maximumf %select_n3A_203, %select_n3A_214 : vector<16xf32>
      %min3A_216 = arith.minimumf %select_n3A_203, %select_n3A_214 : vector<16xf32>
      %select_n3A_217 = arith.select %xor3A_82, %max3A_215, %min3A_216 : vector<16xi1>, vector<16xf32>
      %swap3A_218 = arith.constant 16 : index
      %swap3A_219 = tpu.vector_load %arg18[%swap3A_218] {strides = array<i32>} : memref<48xf32, #tpu.memory_space<vmem>>, vector<16xf32>,
      %swap3A_220 = vector.shape_cast %swap3A_219 : vector<16xf32> to vector<16xf32>
      %swap3A_221 = vector.shape_cast %select_n3A_217 : vector<16xf32> to vector<16xf32>
      tpu.vector_store %arg18[%swap3A_218], %swap3A_221 {strides = array<i32>} : memref<48xf32, #tpu.memory_space<vmem>>, vector<16xf32>,
      %get3A_222 = arith.constant 12 : index
      %get3A_223 = tpu.vector_load %arg18[%get3A_222] {strides = array<i32>} : memref<48xf32, #tpu.memory_space<vmem>>, vector<16xf32>,
      %get3A_224 = vector.shape_cast %get3A_223 : vector<16xf32> to vector<16xf32>
      %get3A_225 = arith.constant 20 : index
      %get3A_226 = tpu.vector_load %arg18[%get3A_225] {strides = array<i32>} : memref<48xf32, #tpu.memory_space<vmem>>, vector<16xf32>,
      %get3A_227 = vector.shape_cast %get3A_226 : vector<16xf32> to vector<16xf32>
      %select_n3A_228 = arith.select %ne3A_50, %get3A_224, %get3A_227 : vector<16xi1>, vector<16xf32>
      %max3A_229 = arith.maximumf %select_n3A_217, %select_n3A_228 : vector<16xf32>
      %min3A_230 = arith.minimumf %select_n3A_217, %select_n3A_228 : vector<16xf32>
      %select_n3A_231 = arith.select %xor3A_83, %max3A_229, %min3A_230 : vector<16xi1>, vector<16xf32>
      %swap3A_232 = arith.constant 16 : index
      %swap3A_233 = tpu.vector_load %arg18[%swap3A_232] {strides = array<i32>} : memref<48xf32, #tpu.memory_space<vmem>>, vector<16xf32>,
      %swap3A_234 = vector.shape_cast %swap3A_233 : vector<16xf32> to vector<16xf32>
      %swap3A_235 = vector.shape_cast %select_n3A_231 : vector<16xf32> to vector<16xf32>
      tpu.vector_store %arg18[%swap3A_232], %swap3A_235 {strides = array<i32>} : memref<48xf32, #tpu.memory_space<vmem>>, vector<16xf32>,
      %get3A_236 = arith.constant 14 : index
      %get3A_237 = tpu.vector_load %arg18[%get3A_236] {strides = array<i32>} : memref<48xf32, #tpu.memory_space<vmem>>, vector<16xf32>,
      %get3A_238 = vector.shape_cast %get3A_237 : vector<16xf32> to vector<16xf32>
      %get3A_239 = arith.constant 18 : index
      %get3A_240 = tpu.vector_load %arg18[%get3A_239] {strides = array<i32>} : memref<48xf32, #tpu.memory_space<vmem>>, vector<16xf32>,
      %get3A_241 = vector.shape_cast %get3A_240 : vector<16xf32> to vector<16xf32>
      %select_n3A_242 = arith.select %ne3A_44, %get3A_238, %get3A_241 : vector<16xi1>, vector<16xf32>
      %max3A_243 = arith.maximumf %select_n3A_231, %select_n3A_242 : vector<16xf32>
      %min3A_244 = arith.minimumf %select_n3A_231, %select_n3A_242 : vector<16xf32>
      %select_n3A_245 = arith.select %xor3A_84, %max3A_243, %min3A_244 : vector<16xi1>, vector<16xf32>
      %swap3A_246 = arith.constant 16 : index
      %swap3A_247 = tpu.vector_load %arg18[%swap3A_246] {strides = array<i32>} : memref<48xf32, #tpu.memory_space<vmem>>, vector<16xf32>,
      %swap3A_248 = vector.shape_cast %swap3A_247 : vector<16xf32> to vector<16xf32>
      %swap3A_249 = vector.shape_cast %select_n3A_245 : vector<16xf32> to vector<16xf32>
      tpu.vector_store %arg18[%swap3A_246], %swap3A_249 {strides = array<i32>} : memref<48xf32, #tpu.memory_space<vmem>>, vector<16xf32>,
      %get3A_250 = arith.constant 15 : index
      %get3A_251 = tpu.vector_load %arg18[%get3A_250] {strides = array<i32>} : memref<48xf32, #tpu.memory_space<vmem>>, vector<16xf32>,
      %get3A_252 = vector.shape_cast %get3A_251 : vector<16xf32> to vector<16xf32>
      %get3A_253 = arith.constant 17 : index
      %get3A_254 = tpu.vector_load %arg18[%get3A_253] {strides = array<i32>} : memref<48xf32, #tpu.memory_space<vmem>>, vector<16xf32>,
      %get3A_255 = vector.shape_cast %get3A_254 : vector<16xf32> to vector<16xf32>
      %select_n3A_256 = arith.select %ne3A_38, %get3A_252, %get3A_255 : vector<16xi1>, vector<16xf32>
      %max3A_257 = arith.maximumf %select_n3A_245, %select_n3A_256 : vector<16xf32>
      %min3A_258 = arith.minimumf %select_n3A_245, %select_n3A_256 : vector<16xf32>
      %select_n3A_259 = arith.select %xor3A_85, %max3A_257, %min3A_258 : vector<16xi1>, vector<16xf32>
      %swap3A_260 = arith.constant 16 : index
      %swap3A_261 = tpu.vector_load %arg18[%swap3A_260] {strides = array<i32>} : memref<48xf32, #tpu.memory_space<vmem>>, vector<16xf32>,
      %swap3A_262 = vector.shape_cast %swap3A_261 : vector<16xf32> to vector<16xf32>
      %swap3A_263 = vector.shape_cast %select_n3A_259 : vector<16xf32> to vector<16xf32>
      tpu.vector_store %arg18[%swap3A_260], %swap3A_263 {strides = array<i32>} : memref<48xf32, #tpu.memory_space<vmem>>, vector<16xf32>,
      %get3A_264 = arith.constant 8 : index
      %get3A_265 = tpu.vector_load %arg18[%get3A_264] {strides = array<i32>} : memref<48xf32, #tpu.memory_space<vmem>>, vector<16xf32>,
      %get3A_266 = vector.shape_cast %get3A_265 : vector<16xf32> to vector<16xf32>
      %get3A_267 = arith.constant 24 : index
      %get3A_268 = tpu.vector_load %arg18[%get3A_267] {strides = array<i32>} : memref<48xf32, #tpu.memory_space<vmem>>, vector<16xf32>,
      %get3A_269 = vector.shape_cast %get3A_268 : vector<16xf32> to vector<16xf32>
      %select_n3A_270 = arith.select %ne3A_56, %get3A_266, %get3A_269 : vector<16xi1>, vector<16xf32>
      %max3A_271 = arith.maximumf %select_n3A_259, %select_n3A_270 : vector<16xf32>
      %min3A_272 = arith.minimumf %select_n3A_259, %select_n3A_270 : vector<16xf32>
      %select_n3A_273 = arith.select %xor3A_86, %max3A_271, %min3A_272 : vector<16xi1>, vector<16xf32>
      %swap3A_274 = arith.constant 16 : index
      %swap3A_275 = tpu.vector_load %arg18[%swap3A_274] {strides = array<i32>} : memref<48xf32, #tpu.memory_space<vmem>>, vector<16xf32>,
      %swap3A_276 = vector.shape_cast %swap3A_275 : vector<16xf32> to vector<16xf32>
      %swap3A_277 = vector.shape_cast %select_n3A_273 : vector<16xf32> to vector<16xf32>
      tpu.vector_store %arg18[%swap3A_274], %swap3A_277 {strides = array<i32>} : memref<48xf32, #tpu.memory_space<vmem>>, vector<16xf32>,
      %get3A_278 = arith.constant 12 : index
      %get3A_279 = tpu.vector_load %arg18[%get3A_278] {strides = array<i32>} : memref<48xf32, #tpu.memory_space<vmem>>, vector<16xf32>,
      %get3A_280 = vector.shape_cast %get3A_279 : vector<16xf32> to vector<16xf32>
      %get3A_281 = arith.constant 20 : index
      %get3A_282 = tpu.vector_load %arg18[%get3A_281] {strides = array<i32>} : memref<48xf32, #tpu.memory_space<vmem>>, vector<16xf32>,
      %get3A_283 = vector.shape_cast %get3A_282 : vector<16xf32> to vector<16xf32>
      %select_n3A_284 = arith.select %ne3A_50, %get3A_280, %get3A_283 : vector<16xi1>, vector<16xf32>
      %max3A_285 = arith.maximumf %select_n3A_273, %select_n3A_284 : vector<16xf32>
      %min3A_286 = arith.minimumf %select_n3A_273, %select_n3A_284 : vector<16xf32>
      %select_n3A_287 = arith.select %xor3A_87, %max3A_285, %min3A_286 : vector<16xi1>, vector<16xf32>
      %swap3A_288 = arith.constant 16 : index
      %swap3A_289 = tpu.vector_load %arg18[%swap3A_288] {strides = array<i32>} : memref<48xf32, #tpu.memory_space<vmem>>, vector<16xf32>,
      %swap3A_290 = vector.shape_cast %swap3A_289 : vector<16xf32> to vector<16xf32>
      %swap3A_291 = vector.shape_cast %select_n3A_287 : vector<16xf32> to vector<16xf32>
      tpu.vector_store %arg18[%swap3A_288], %swap3A_291 {strides = array<i32>} : memref<48xf32, #tpu.memory_space<vmem>>, vector<16xf32>,
      %get3A_292 = arith.constant 14 : index
      %get3A_293 = tpu.vector_load %arg18[%get3A_292] {strides = array<i32>} : memref<48xf32, #tpu.memory_space<vmem>>, vector<16xf32>,
      %get3A_294 = vector.shape_cast %get3A_293 : vector<16xf32> to vector<16xf32>
      %get3A_295 = arith.constant 18 : index
      %get3A_296 = tpu.vector_load %arg18[%get3A_295] {strides = array<i32>} : memref<48xf32, #tpu.memory_space<vmem>>, vector<16xf32>,
      %get3A_297 = vector.shape_cast %get3A_296 : vector<16xf32> to vector<16xf32>
      %select_n3A_298 = arith.select %ne3A_44, %get3A_294, %get3A_297 : vector<16xi1>, vector<16xf32>
      %max3A_299 = arith.maximumf %select_n3A_287, %select_n3A_298 : vector<16xf32>
      %min3A_300 = arith.minimumf %select_n3A_287, %select_n3A_298 : vector<16xf32>
      %select_n3A_301 = arith.select %xor3A_88, %max3A_299, %min3A_300 : vector<16xi1>, vector<16xf32>
      %swap3A_302 = arith.constant 16 : index
      %swap3A_303 = tpu.vector_load %arg18[%swap3A_302] {strides = array<i32>} : memref<48xf32, #tpu.memory_space<vmem>>, vector<16xf32>,
      %swap3A_304 = vector.shape_cast %swap3A_303 : vector<16xf32> to vector<16xf32>
      %swap3A_305 = vector.shape_cast %select_n3A_301 : vector<16xf32> to vector<16xf32>
      tpu.vector_store %arg18[%swap3A_302], %swap3A_305 {strides = array<i32>} : memref<48xf32, #tpu.memory_space<vmem>>, vector<16xf32>,
      %get3A_306 = arith.constant 15 : index
      %get3A_307 = tpu.vector_load %arg18[%get3A_306] {strides = array<i32>} : memref<48xf32, #tpu.memory_space<vmem>>, vector<16xf32>,
      %get3A_308 = vector.shape_cast %get3A_307 : vector<16xf32> to vector<16xf32>
      %get3A_309 = arith.constant 17 : index
      %get3A_310 = tpu.vector_load %arg18[%get3A_309] {strides = array<i32>} : memref<48xf32, #tpu.memory_space<vmem>>, vector<16xf32>,
      %get3A_311 = vector.shape_cast %get3A_310 : vector<16xf32> to vector<16xf32>
      %select_n3A_312 = arith.select %ne3A_38, %get3A_308, %get3A_311 : vector<16xi1>, vector<16xf32>
      %max3A_313 = arith.maximumf %select_n3A_301, %select_n3A_312 : vector<16xf32>
      %min3A_314 = arith.minimumf %select_n3A_301, %select_n3A_312 : vector<16xf32>
      %select_n3A_315 = arith.select %xor3A_89, %max3A_313, %min3A_314 : vector<16xi1>, vector<16xf32>
      %mul3A_316 = arith.constant 2 : i32
      %mul3A_317 = arith.muli %mul3A_316, %scan3A_169 : i32
      %add3A_318 = arith.constant 1 : i32
      %add3A_319 = arith.addi %mul3A_317, %add3A_318 : i32
      %mul3A_320 = arith.constant 16 : i32
      %mul3A_321 = arith.muli %add3A_319, %mul3A_320 : i32
      %get3A_322 = arith.index_cast %mul3A_321 : i32 to index
      %get3A_323 = tpu.vector_load %arg9[%get3A_322] {strides = array<i32>} : memref<1024xf32, #tpu.memory_space<vmem>>, vector<16xf32>,
      %get3A_324 = vector.shape_cast %get3A_323 : vector<16xf32> to vector<16xf32>
      %swap3A_325 = arith.constant 16 : index
      %swap3A_326 = tpu.vector_load %arg19[%swap3A_325] {strides = array<i32>} : memref<48xf32, #tpu.memory_space<vmem>>, vector<16xf32>,
      %swap3A_327 = vector.shape_cast %swap3A_326 : vector<16xf32> to vector<16xf32>
      %swap3A_328 = vector.shape_cast %get3A_324 : vector<16xf32> to vector<16xf32>
      tpu.vector_store %arg19[%swap3A_325], %swap3A_328 {strides = array<i32>} : memref<48xf32, #tpu.memory_space<vmem>>, vector<16xf32>,
      %get3A_329 = arith.constant 15 : index
      %get3A_330 = tpu.vector_load %arg19[%get3A_329] {strides = array<i32>} : memref<48xf32, #tpu.memory_space<vmem>>, vector<16xf32>,
      %get3A_331 = vector.shape_cast %get3A_330 : vector<16xf32> to vector<16xf32>
      %get3A_332 = arith.constant 17 : index
      %get3A_333 = tpu.vector_load %arg19[%get3A_332] {strides = array<i32>} : memref<48xf32, #tpu.memory_space<vmem>>, vector<16xf32>,
      %get3A_334 = vector.shape_cast %get3A_333 : vector<16xf32> to vector<16xf32>
      %select_n3A_335 = arith.select %ne3A_38, %get3A_331, %get3A_334 : vector<16xi1>, vector<16xf32>
      %max3A_336 = arith.maximumf %get3A_324, %select_n3A_335 : vector<16xf32>
      %min3A_337 = arith.minimumf %get3A_324, %select_n3A_335 : vector<16xf32>
      %select_n3A_338 = arith.select %xor3A, %max3A_336, %min3A_337 : vector<16xi1>, vector<16xf32>
      %swap3A_339 = arith.constant 16 : index
      %swap3A_340 = tpu.vector_load %arg19[%swap3A_339] {strides = array<i32>} : memref<48xf32, #tpu.memory_space<vmem>>, vector<16xf32>,
      %swap3A_341 = vector.shape_cast %swap3A_340 : vector<16xf32> to vector<16xf32>
      %swap3A_342 = vector.shape_cast %select_n3A_338 : vector<16xf32> to vector<16xf32>
      tpu.vector_store %arg19[%swap3A_339], %swap3A_342 {strides = array<i32>} : memref<48xf32, #tpu.memory_space<vmem>>, vector<16xf32>,
      %get3A_343 = arith.constant 14 : index
      %get3A_344 = tpu.vector_load %arg19[%get3A_343] {strides = array<i32>} : memref<48xf32, #tpu.memory_space<vmem>>, vector<16xf32>,
      %get3A_345 = vector.shape_cast %get3A_344 : vector<16xf32> to vector<16xf32>
      %get3A_346 = arith.constant 18 : index
      %get3A_347 = tpu.vector_load %arg19[%get3A_346] {strides = array<i32>} : memref<48xf32, #tpu.memory_space<vmem>>, vector<16xf32>,
      %get3A_348 = vector.shape_cast %get3A_347 : vector<16xf32> to vector<16xf32>
      %select_n3A_349 = arith.select %ne3A_44, %get3A_345, %get3A_348 : vector<16xi1>, vector<16xf32>
      %max3A_350 = arith.maximumf %select_n3A_338, %select_n3A_349 : vector<16xf32>
      %min3A_351 = arith.minimumf %select_n3A_338, %select_n3A_349 : vector<16xf32>
      %select_n3A_352 = arith.select %xor3A_81, %max3A_350, %min3A_351 : vector<16xi1>, vector<16xf32>
      %swap3A_353 = arith.constant 16 : index
      %swap3A_354 = tpu.vector_load %arg19[%swap3A_353] {strides = array<i32>} : memref<48xf32, #tpu.memory_space<vmem>>, vector<16xf32>,
      %swap3A_355 = vector.shape_cast %swap3A_354 : vector<16xf32> to vector<16xf32>
      %swap3A_356 = vector.shape_cast %select_n3A_352 : vector<16xf32> to vector<16xf32>
      tpu.vector_store %arg19[%swap3A_353], %swap3A_356 {strides = array<i32>} : memref<48xf32, #tpu.memory_space<vmem>>, vector<16xf32>,
      %get3A_357 = arith.constant 15 : index
      %get3A_358 = tpu.vector_load %arg19[%get3A_357] {strides = array<i32>} : memref<48xf32, #tpu.memory_space<vmem>>, vector<16xf32>,
      %get3A_359 = vector.shape_cast %get3A_358 : vector<16xf32> to vector<16xf32>
      %get3A_360 = arith.constant 17 : index
      %get3A_361 = tpu.vector_load %arg19[%get3A_360] {strides = array<i32>} : memref<48xf32, #tpu.memory_space<vmem>>, vector<16xf32>,
      %get3A_362 = vector.shape_cast %get3A_361 : vector<16xf32> to vector<16xf32>
      %select_n3A_363 = arith.select %ne3A_38, %get3A_359, %get3A_362 : vector<16xi1>, vector<16xf32>
      %max3A_364 = arith.maximumf %select_n3A_352, %select_n3A_363 : vector<16xf32>
      %min3A_365 = arith.minimumf %select_n3A_352, %select_n3A_363 : vector<16xf32>
      %select_n3A_366 = arith.select %xor3A_82, %max3A_364, %min3A_365 : vector<16xi1>, vector<16xf32>
      %swap3A_367 = arith.constant 16 : index
      %swap3A_368 = tpu.vector_load %arg19[%swap3A_367] {strides = array<i32>} : memref<48xf32, #tpu.memory_space<vmem>>, vector<16xf32>,
      %swap3A_369 = vector.shape_cast %swap3A_368 : vector<16xf32> to vector<16xf32>
      %swap3A_370 = vector.shape_cast %select_n3A_366 : vector<16xf32> to vector<16xf32>
      tpu.vector_store %arg19[%swap3A_367], %swap3A_370 {strides = array<i32>} : memref<48xf32, #tpu.memory_space<vmem>>, vector<16xf32>,
      %get3A_371 = arith.constant 12 : index
      %get3A_372 = tpu.vector_load %arg19[%get3A_371] {strides = array<i32>} : memref<48xf32, #tpu.memory_space<vmem>>, vector<16xf32>,
      %get3A_373 = vector.shape_cast %get3A_372 : vector<16xf32> to vector<16xf32>
      %get3A_374 = arith.constant 20 : index
      %get3A_375 = tpu.vector_load %arg19[%get3A_374] {strides = array<i32>} : memref<48xf32, #tpu.memory_space<vmem>>, vector<16xf32>,
      %get3A_376 = vector.shape_cast %get3A_375 : vector<16xf32> to vector<16xf32>
      %select_n3A_377 = arith.select %ne3A_50, %get3A_373, %get3A_376 : vector<16xi1>, vector<16xf32>
      %max3A_378 = arith.maximumf %select_n3A_366, %select_n3A_377 : vector<16xf32>
      %min3A_379 = arith.minimumf %select_n3A_366, %select_n3A_377 : vector<16xf32>
      %select_n3A_380 = arith.select %xor3A_83, %max3A_378, %min3A_379 : vector<16xi1>, vector<16xf32>
      %swap3A_381 = arith.constant 16 : index
      %swap3A_382 = tpu.vector_load %arg19[%swap3A_381] {strides = array<i32>} : memref<48xf32, #tpu.memory_space<vmem>>, vector<16xf32>,
      %swap3A_383 = vector.shape_cast %swap3A_382 : vector<16xf32> to vector<16xf32>
      %swap3A_384 = vector.shape_cast %select_n3A_380 : vector<16xf32> to vector<16xf32>
      tpu.vector_store %arg19[%swap3A_381], %swap3A_384 {strides = array<i32>} : memref<48xf32, #tpu.memory_space<vmem>>, vector<16xf32>,
      %get3A_385 = arith.constant 14 : index
      %get3A_386 = tpu.vector_load %arg19[%get3A_385] {strides = array<i32>} : memref<48xf32, #tpu.memory_space<vmem>>, vector<16xf32>,
      %get3A_387 = vector.shape_cast %get3A_386 : vector<16xf32> to vector<16xf32>
      %get3A_388 = arith.constant 18 : index
      %get3A_389 = tpu.vector_load %arg19[%get3A_388] {strides = array<i32>} : memref<48xf32, #tpu.memory_space<vmem>>, vector<16xf32>,
      %get3A_390 = vector.shape_cast %get3A_389 : vector<16xf32> to vector<16xf32>
      %select_n3A_391 = arith.select %ne3A_44, %get3A_387, %get3A_390 : vector<16xi1>, vector<16xf32>
      %max3A_392 = arith.maximumf %select_n3A_380, %select_n3A_391 : vector<16xf32>
      %min3A_393 = arith.minimumf %select_n3A_380, %select_n3A_391 : vector<16xf32>
      %select_n3A_394 = arith.select %xor3A_84, %max3A_392, %min3A_393 : vector<16xi1>, vector<16xf32>
      %swap3A_395 = arith.constant 16 : index
      %swap3A_396 = tpu.vector_load %arg19[%swap3A_395] {strides = array<i32>} : memref<48xf32, #tpu.memory_space<vmem>>, vector<16xf32>,
      %swap3A_397 = vector.shape_cast %swap3A_396 : vector<16xf32> to vector<16xf32>
      %swap3A_398 = vector.shape_cast %select_n3A_394 : vector<16xf32> to vector<16xf32>
      tpu.vector_store %arg19[%swap3A_395], %swap3A_398 {strides = array<i32>} : memref<48xf32, #tpu.memory_space<vmem>>, vector<16xf32>,
      %get3A_399 = arith.constant 15 : index
      %get3A_400 = tpu.vector_load %arg19[%get3A_399] {strides = array<i32>} : memref<48xf32, #tpu.memory_space<vmem>>, vector<16xf32>,
      %get3A_401 = vector.shape_cast %get3A_400 : vector<16xf32> to vector<16xf32>
      %get3A_402 = arith.constant 17 : index
      %get3A_403 = tpu.vector_load %arg19[%get3A_402] {strides = array<i32>} : memref<48xf32, #tpu.memory_space<vmem>>, vector<16xf32>,
      %get3A_404 = vector.shape_cast %get3A_403 : vector<16xf32> to vector<16xf32>
      %select_n3A_405 = arith.select %ne3A_38, %get3A_401, %get3A_404 : vector<16xi1>, vector<16xf32>
      %max3A_406 = arith.maximumf %select_n3A_394, %select_n3A_405 : vector<16xf32>
      %min3A_407 = arith.minimumf %select_n3A_394, %select_n3A_405 : vector<16xf32>
      %select_n3A_408 = arith.select %xor3A_85, %max3A_406, %min3A_407 : vector<16xi1>, vector<16xf32>
      %swap3A_409 = arith.constant 16 : index
      %swap3A_410 = tpu.vector_load %arg19[%swap3A_409] {strides = array<i32>} : memref<48xf32, #tpu.memory_space<vmem>>, vector<16xf32>,
      %swap3A_411 = vector.shape_cast %swap3A_410 : vector<16xf32> to vector<16xf32>
      %swap3A_412 = vector.shape_cast %select_n3A_408 : vector<16xf32> to vector<16xf32>
      tpu.vector_store %arg19[%swap3A_409], %swap3A_412 {strides = array<i32>} : memref<48xf32, #tpu.memory_space<vmem>>, vector<16xf32>,
      %get3A_413 = arith.constant 8 : index
      %get3A_414 = tpu.vector_load %arg19[%get3A_413] {strides = array<i32>} : memref<48xf32, #tpu.memory_space<vmem>>, vector<16xf32>,
      %get3A_415 = vector.shape_cast %get3A_414 : vector<16xf32> to vector<16xf32>
      %get3A_416 = arith.constant 24 : index
      %get3A_417 = tpu.vector_load %arg19[%get3A_416] {strides = array<i32>} : memref<48xf32, #tpu.memory_space<vmem>>, vector<16xf32>,
      %get3A_418 = vector.shape_cast %get3A_417 : vector<16xf32> to vector<16xf32>
      %select_n3A_419 = arith.select %ne3A_56, %get3A_415, %get3A_418 : vector<16xi1>, vector<16xf32>
      %max3A_420 = arith.maximumf %select_n3A_408, %select_n3A_419 : vector<16xf32>
      %min3A_421 = arith.minimumf %select_n3A_408, %select_n3A_419 : vector<16xf32>
      %select_n3A_422 = arith.select %xor3A_86, %max3A_420, %min3A_421 : vector<16xi1>, vector<16xf32>
      %swap3A_423 = arith.constant 16 : index
      %swap3A_424 = tpu.vector_load %arg19[%swap3A_423] {strides = array<i32>} : memref<48xf32, #tpu.memory_space<vmem>>, vector<16xf32>,
      %swap3A_425 = vector.shape_cast %swap3A_424 : vector<16xf32> to vector<16xf32>
      %swap3A_426 = vector.shape_cast %select_n3A_422 : vector<16xf32> to vector<16xf32>
      tpu.vector_store %arg19[%swap3A_423], %swap3A_426 {strides = array<i32>} : memref<48xf32, #tpu.memory_space<vmem>>, vector<16xf32>,
      %get3A_427 = arith.constant 12 : index
      %get3A_428 = tpu.vector_load %arg19[%get3A_427] {strides = array<i32>} : memref<48xf32, #tpu.memory_space<vmem>>, vector<16xf32>,
      %get3A_429 = vector.shape_cast %get3A_428 : vector<16xf32> to vector<16xf32>
      %get3A_430 = arith.constant 20 : index
      %get3A_431 = tpu.vector_load %arg19[%get3A_430] {strides = array<i32>} : memref<48xf32, #tpu.memory_space<vmem>>, vector<16xf32>,
      %get3A_432 = vector.shape_cast %get3A_431 : vector<16xf32> to vector<16xf32>
      %select_n3A_433 = arith.select %ne3A_50, %get3A_429, %get3A_432 : vector<16xi1>, vector<16xf32>
      %max3A_434 = arith.maximumf %select_n3A_422, %select_n3A_433 : vector<16xf32>
      %min3A_435 = arith.minimumf %select_n3A_422, %select_n3A_433 : vector<16xf32>
      %select_n3A_436 = arith.select %xor3A_87, %max3A_434, %min3A_435 : vector<16xi1>, vector<16xf32>
      %swap3A_437 = arith.constant 16 : index
      %swap3A_438 = tpu.vector_load %arg19[%swap3A_437] {strides = array<i32>} : memref<48xf32, #tpu.memory_space<vmem>>, vector<16xf32>,
      %swap3A_439 = vector.shape_cast %swap3A_438 : vector<16xf32> to vector<16xf32>
      %swap3A_440 = vector.shape_cast %select_n3A_436 : vector<16xf32> to vector<16xf32>
      tpu.vector_store %arg19[%swap3A_437], %swap3A_440 {strides = array<i32>} : memref<48xf32, #tpu.memory_space<vmem>>, vector<16xf32>,
      %get3A_441 = arith.constant 14 : index
      %get3A_442 = tpu.vector_load %arg19[%get3A_441] {strides = array<i32>} : memref<48xf32, #tpu.memory_space<vmem>>, vector<16xf32>,
      %get3A_443 = vector.shape_cast %get3A_442 : vector<16xf32> to vector<16xf32>
      %get3A_444 = arith.constant 18 : index
      %get3A_445 = tpu.vector_load %arg19[%get3A_444] {strides = array<i32>} : memref<48xf32, #tpu.memory_space<vmem>>, vector<16xf32>,
      %get3A_446 = vector.shape_cast %get3A_445 : vector<16xf32> to vector<16xf32>
      %select_n3A_447 = arith.select %ne3A_44, %get3A_443, %get3A_446 : vector<16xi1>, vector<16xf32>
      %max3A_448 = arith.maximumf %select_n3A_436, %select_n3A_447 : vector<16xf32>
      %min3A_449 = arith.minimumf %select_n3A_436, %select_n3A_447 : vector<16xf32>
      %select_n3A_450 = arith.select %xor3A_88, %max3A_448, %min3A_449 : vector<16xi1>, vector<16xf32>
      %swap3A_451 = arith.constant 16 : index
      %swap3A_452 = tpu.vector_load %arg19[%swap3A_451] {strides = array<i32>} : memref<48xf32, #tpu.memory_space<vmem>>, vector<16xf32>,
      %swap3A_453 = vector.shape_cast %swap3A_452 : vector<16xf32> to vector<16xf32>
      %swap3A_454 = vector.shape_cast %select_n3A_450 : vector<16xf32> to vector<16xf32>
      tpu.vector_store %arg19[%swap3A_451], %swap3A_454 {strides = array<i32>} : memref<48xf32, #tpu.memory_space<vmem>>, vector<16xf32>,
      %get3A_455 = arith.constant 15 : index
      %get3A_456 = tpu.vector_load %arg19[%get3A_455] {strides = array<i32>} : memref<48xf32, #tpu.memory_space<vmem>>, vector<16xf32>,
      %get3A_457 = vector.shape_cast %get3A_456 : vector<16xf32> to vector<16xf32>
      %get3A_458 = arith.constant 17 : index
      %get3A_459 = tpu.vector_load %arg19[%get3A_458] {strides = array<i32>} : memref<48xf32, #tpu.memory_space<vmem>>, vector<16xf32>,
      %get3A_460 = vector.shape_cast %get3A_459 : vector<16xf32> to vector<16xf32>
      %select_n3A_461 = arith.select %ne3A_38, %get3A_457, %get3A_460 : vector<16xi1>, vector<16xf32>
      %max3A_462 = arith.maximumf %select_n3A_450, %select_n3A_461 : vector<16xf32>
      %min3A_463 = arith.minimumf %select_n3A_450, %select_n3A_461 : vector<16xf32>
      %select_n3A_464 = arith.select %xor3A_89, %max3A_462, %min3A_463 : vector<16xi1>, vector<16xf32>
      %rev3A = arith.constant 15 : i32
      %rev3A_465 = vector.broadcast %rev3A : i32 to vector<16xi32>
      %rev3A_466 = tpu.iota {dimensions = array<i32: 0>} : vector<16xi32>
      %rev3A_467 = arith.subi %rev3A_465, %rev3A_466 : vector<16xi32>
      %rev3A_468 = tpu.dynamic_gather %select_n3A_315[%rev3A_467] in [0] : vector<16xf32>, vector<16xi32> -> vector<16xf32>
      %rev3A_469 = arith.constant 15 : i32
      %rev3A_470 = vector.broadcast %rev3A_469 : i32 to vector<16xi32>
      %rev3A_471 = tpu.iota {dimensions = array<i32: 0>} : vector<16xi32>
      %rev3A_472 = arith.subi %rev3A_470, %rev3A_471 : vector<16xi32>
      %rev3A_473 = tpu.dynamic_gather %select_n3A_464[%rev3A_472] in [0] : vector<16xf32>, vector<16xi32> -> vector<16xf32>
      %max3A_474 = arith.maximumf %scan3A_170, %rev3A_468 : vector<16xf32>
      %swap3A_475 = arith.constant 16 : index
      %swap3A_476 = tpu.vector_load %arg20[%swap3A_475] {strides = array<i32>} : memref<48xf32, #tpu.memory_space<vmem>>, vector<16xf32>,
      %swap3A_477 = vector.shape_cast %swap3A_476 : vector<16xf32> to vector<16xf32>
      %swap3A_478 = vector.shape_cast %max3A_474 : vector<16xf32> to vector<16xf32>
      tpu.vector_store %arg20[%swap3A_475], %swap3A_478 {strides = array<i32>} : memref<48xf32, #tpu.memory_space<vmem>>, vector<16xf32>,
      %get3A_479 = arith.constant 8 : index
      %get3A_480 = tpu.vector_load %arg20[%get3A_479] {strides = array<i32>} : memref<48xf32, #tpu.memory_space<vmem>>, vector<16xf32>,
      %get3A_481 = vector.shape_cast %get3A_480 : vector<16xf32> to vector<16xf32>
      %get3A_482 = arith.constant 24 : index
      %get3A_483 = tpu.vector_load %arg20[%get3A_482] {strides = array<i32>} : memref<48xf32, #tpu.memory_space<vmem>>, vector<16xf32>,
      %get3A_484 = vector.shape_cast %get3A_483 : vector<16xf32> to vector<16xf32>
      %select_n3A_485 = arith.select %ne3A_56, %get3A_481, %get3A_484 : vector<16xi1>, vector<16xf32>
      %max3A_486 = arith.maximumf %max3A_474, %select_n3A_485 : vector<16xf32>
      %min3A_487 = arith.minimumf %max3A_474, %select_n3A_485 : vector<16xf32>
      %select_n3A_488 = arith.select %ne3A_56, %max3A_486, %min3A_487 : vector<16xi1>, vector<16xf32>
      %swap3A_489 = arith.constant 16 : index
      %swap3A_490 = tpu.vector_load %arg20[%swap3A_489] {strides = array<i32>} : memref<48xf32, #tpu.memory_space<vmem>>, vector<16xf32>,
      %swap3A_491 = vector.shape_cast %swap3A_490 : vector<16xf32> to vector<16xf32>
      %swap3A_492 = vector.shape_cast %select_n3A_488 : vector<16xf32> to vector<16xf32>
      tpu.vector_store %arg20[%swap3A_489], %swap3A_492 {strides = array<i32>} : memref<48xf32, #tpu.memory_space<vmem>>, vector<16xf32>,
      %get3A_493 = arith.constant 12 : index
      %get3A_494 = tpu.vector_load %arg20[%get3A_493] {strides = array<i32>} : memref<48xf32, #tpu.memory_space<vmem>>, vector<16xf32>,
      %get3A_495 = vector.shape_cast %get3A_494 : vector<16xf32> to vector<16xf32>
      %get3A_496 = arith.constant 20 : index
      %get3A_497 = tpu.vector_load %arg20[%get3A_496] {strides = array<i32>} : memref<48xf32, #tpu.memory_space<vmem>>, vector<16xf32>,
      %get3A_498 = vector.shape_cast %get3A_497 : vector<16xf32> to vector<16xf32>
      %select_n3A_499 = arith.select %ne3A_50, %get3A_495, %get3A_498 : vector<16xi1>, vector<16xf32>
      %max3A_500 = arith.maximumf %select_n3A_488, %select_n3A_499 : vector<16xf32>
      %min3A_501 = arith.minimumf %select_n3A_488, %select_n3A_499 : vector<16xf32>
      %select_n3A_502 = arith.select %ne3A_50, %max3A_500, %min3A_501 : vector<16xi1>, vector<16xf32>
      %swap3A_503 = arith.constant 16 : index
      %swap3A_504 = tpu.vector_load %arg20[%swap3A_503] {strides = array<i32>} : memref<48xf32, #tpu.memory_space<vmem>>, vector<16xf32>,
      %swap3A_505 = vector.shape_cast %swap3A_504 : vector<16xf32> to vector<16xf32>
      %swap3A_506 = vector.shape_cast %select_n3A_502 : vector<16xf32> to vector<16xf32>
      tpu.vector_store %arg20[%swap3A_503], %swap3A_506 {strides = array<i32>} : memref<48xf32, #tpu.memory_space<vmem>>, vector<16xf32>,
      %get3A_507 = arith.constant 14 : index
      %get3A_508 = tpu.vector_load %arg20[%get3A_507] {strides = array<i32>} : memref<48xf32, #tpu.memory_space<vmem>>, vector<16xf32>,
      %get3A_509 = vector.shape_cast %get3A_508 : vector<16xf32> to vector<16xf32>
      %get3A_510 = arith.constant 18 : index
      %get3A_511 = tpu.vector_load %arg20[%get3A_510] {strides = array<i32>} : memref<48xf32, #tpu.memory_space<vmem>>, vector<16xf32>,
      %get3A_512 = vector.shape_cast %get3A_511 : vector<16xf32> to vector<16xf32>
      %select_n3A_513 = arith.select %ne3A_44, %get3A_509, %get3A_512 : vector<16xi1>, vector<16xf32>
      %max3A_514 = arith.maximumf %select_n3A_502, %select_n3A_513 : vector<16xf32>
      %min3A_515 = arith.minimumf %select_n3A_502, %select_n3A_513 : vector<16xf32>
      %select_n3A_516 = arith.select %ne3A_44, %max3A_514, %min3A_515 : vector<16xi1>, vector<16xf32>
      %swap3A_517 = arith.constant 16 : index
      %swap3A_518 = tpu.vector_load %arg20[%swap3A_517] {strides = array<i32>} : memref<48xf32, #tpu.memory_space<vmem>>, vector<16xf32>,
      %swap3A_519 = vector.shape_cast %swap3A_518 : vector<16xf32> to vector<16xf32>
      %swap3A_520 = vector.shape_cast %select_n3A_516 : vector<16xf32> to vector<16xf32>
      tpu.vector_store %arg20[%swap3A_517], %swap3A_520 {strides = array<i32>} : memref<48xf32, #tpu.memory_space<vmem>>, vector<16xf32>,
      %get3A_521 = arith.constant 15 : index
      %get3A_522 = tpu.vector_load %arg20[%get3A_521] {strides = array<i32>} : memref<48xf32, #tpu.memory_space<vmem>>, vector<16xf32>,
      %get3A_523 = vector.shape_cast %get3A_522 : vector<16xf32> to vector<16xf32>
      %get3A_524 = arith.constant 17 : index
      %get3A_525 = tpu.vector_load %arg20[%get3A_524] {strides = array<i32>} : memref<48xf32, #tpu.memory_space<vmem>>, vector<16xf32>,
      %get3A_526 = vector.shape_cast %get3A_525 : vector<16xf32> to vector<16xf32>
      %select_n3A_527 = arith.select %ne3A_38, %get3A_523, %get3A_526 : vector<16xi1>, vector<16xf32>
      %max3A_528 = arith.maximumf %select_n3A_516, %select_n3A_527 : vector<16xf32>
      %min3A_529 = arith.minimumf %select_n3A_516, %select_n3A_527 : vector<16xf32>
      %select_n3A_530 = arith.select %ne3A_38, %max3A_528, %min3A_529 : vector<16xi1>, vector<16xf32>
      %min3A_531 = arith.minimumf %scan3A_171, %rev3A_468 : vector<16xf32>
      %swap3A_532 = arith.constant 16 : index
      %swap3A_533 = tpu.vector_load %arg21[%swap3A_532] {strides = array<i32>} : memref<48xf32, #tpu.memory_space<vmem>>, vector<16xf32>,
      %swap3A_534 = vector.shape_cast %swap3A_533 : vector<16xf32> to vector<16xf32>
      %swap3A_535 = vector.shape_cast %min3A_531 : vector<16xf32> to vector<16xf32>
      tpu.vector_store %arg21[%swap3A_532], %swap3A_535 {strides = array<i32>} : memref<48xf32, #tpu.memory_space<vmem>>, vector<16xf32>,
      %get3A_536 = arith.constant 8 : index
      %get3A_537 = tpu.vector_load %arg21[%get3A_536] {strides = array<i32>} : memref<48xf32, #tpu.memory_space<vmem>>, vector<16xf32>,
      %get3A_538 = vector.shape_cast %get3A_537 : vector<16xf32> to vector<16xf32>
      %get3A_539 = arith.constant 24 : index
      %get3A_540 = tpu.vector_load %arg21[%get3A_539] {strides = array<i32>} : memref<48xf32, #tpu.memory_space<vmem>>, vector<16xf32>,
      %get3A_541 = vector.shape_cast %get3A_540 : vector<16xf32> to vector<16xf32>
      %select_n3A_542 = arith.select %ne3A_56, %get3A_538, %get3A_541 : vector<16xi1>, vector<16xf32>
      %max3A_543 = arith.maximumf %min3A_531, %select_n3A_542 : vector<16xf32>
      %min3A_544 = arith.minimumf %min3A_531, %select_n3A_542 : vector<16xf32>
      %select_n3A_545 = arith.select %ne3A_56, %max3A_543, %min3A_544 : vector<16xi1>, vector<16xf32>
      %swap3A_546 = arith.constant 16 : index
      %swap3A_547 = tpu.vector_load %arg21[%swap3A_546] {strides = array<i32>} : memref<48xf32, #tpu.memory_space<vmem>>, vector<16xf32>,
      %swap3A_548 = vector.shape_cast %swap3A_547 : vector<16xf32> to vector<16xf32>
      %swap3A_549 = vector.shape_cast %select_n3A_545 : vector<16xf32> to vector<16xf32>
      tpu.vector_store %arg21[%swap3A_546], %swap3A_549 {strides = array<i32>} : memref<48xf32, #tpu.memory_space<vmem>>, vector<16xf32>,
      %get3A_550 = arith.constant 12 : index
      %get3A_551 = tpu.vector_load %arg21[%get3A_550] {strides = array<i32>} : memref<48xf32, #tpu.memory_space<vmem>>, vector<16xf32>,
      %get3A_552 = vector.shape_cast %get3A_551 : vector<16xf32> to vector<16xf32>
      %get3A_553 = arith.constant 20 : index
      %get3A_554 = tpu.vector_load %arg21[%get3A_553] {strides = array<i32>} : memref<48xf32, #tpu.memory_space<vmem>>, vector<16xf32>,
      %get3A_555 = vector.shape_cast %get3A_554 : vector<16xf32> to vector<16xf32>
      %select_n3A_556 = arith.select %ne3A_50, %get3A_552, %get3A_555 : vector<16xi1>, vector<16xf32>
      %max3A_557 = arith.maximumf %select_n3A_545, %select_n3A_556 : vector<16xf32>
      %min3A_558 = arith.minimumf %select_n3A_545, %select_n3A_556 : vector<16xf32>
      %select_n3A_559 = arith.select %ne3A_50, %max3A_557, %min3A_558 : vector<16xi1>, vector<16xf32>
      %swap3A_560 = arith.constant 16 : index
      %swap3A_561 = tpu.vector_load %arg21[%swap3A_560] {strides = array<i32>} : memref<48xf32, #tpu.memory_space<vmem>>, vector<16xf32>,
      %swap3A_562 = vector.shape_cast %swap3A_561 : vector<16xf32> to vector<16xf32>
      %swap3A_563 = vector.shape_cast %select_n3A_559 : vector<16xf32> to vector<16xf32>
      tpu.vector_store %arg21[%swap3A_560], %swap3A_563 {strides = array<i32>} : memref<48xf32, #tpu.memory_space<vmem>>, vector<16xf32>,
      %get3A_564 = arith.constant 14 : index
      %get3A_565 = tpu.vector_load %arg21[%get3A_564] {strides = array<i32>} : memref<48xf32, #tpu.memory_space<vmem>>, vector<16xf32>,
      %get3A_566 = vector.shape_cast %get3A_565 : vector<16xf32> to vector<16xf32>
      %get3A_567 = arith.constant 18 : index
      %get3A_568 = tpu.vector_load %arg21[%get3A_567] {strides = array<i32>} : memref<48xf32, #tpu.memory_space<vmem>>, vector<16xf32>,
      %get3A_569 = vector.shape_cast %get3A_568 : vector<16xf32> to vector<16xf32>
      %select_n3A_570 = arith.select %ne3A_44, %get3A_566, %get3A_569 : vector<16xi1>, vector<16xf32>
      %max3A_571 = arith.maximumf %select_n3A_559, %select_n3A_570 : vector<16xf32>
      %min3A_572 = arith.minimumf %select_n3A_559, %select_n3A_570 : vector<16xf32>
      %select_n3A_573 = arith.select %ne3A_44, %max3A_571, %min3A_572 : vector<16xi1>, vector<16xf32>
      %swap3A_574 = arith.constant 16 : index
      %swap3A_575 = tpu.vector_load %arg21[%swap3A_574] {strides = array<i32>} : memref<48xf32, #tpu.memory_space<vmem>>, vector<16xf32>,
      %swap3A_576 = vector.shape_cast %swap3A_575 : vector<16xf32> to vector<16xf32>
      %swap3A_577 = vector.shape_cast %select_n3A_573 : vector<16xf32> to vector<16xf32>
      tpu.vector_store %arg21[%swap3A_574], %swap3A_577 {strides = array<i32>} : memref<48xf32, #tpu.memory_space<vmem>>, vector<16xf32>,
      %get3A_578 = arith.constant 15 : index
      %get3A_579 = tpu.vector_load %arg21[%get3A_578] {strides = array<i32>} : memref<48xf32, #tpu.memory_space<vmem>>, vector<16xf32>,
      %get3A_580 = vector.shape_cast %get3A_579 : vector<16xf32> to vector<16xf32>
      %get3A_581 = arith.constant 17 : index
      %get3A_582 = tpu.vector_load %arg21[%get3A_581] {strides = array<i32>} : memref<48xf32, #tpu.memory_space<vmem>>, vector<16xf32>,
      %get3A_583 = vector.shape_cast %get3A_582 : vector<16xf32> to vector<16xf32>
      %select_n3A_584 = arith.select %ne3A_38, %get3A_580, %get3A_583 : vector<16xi1>, vector<16xf32>
      %max3A_585 = arith.maximumf %select_n3A_573, %select_n3A_584 : vector<16xf32>
      %min3A_586 = arith.minimumf %select_n3A_573, %select_n3A_584 : vector<16xf32>
      %select_n3A_587 = arith.select %ne3A_38, %max3A_585, %min3A_586 : vector<16xi1>, vector<16xf32>
      %max3A_588 = arith.maximumf %select_n3A_530, %rev3A_473 : vector<16xf32>
      %swap3A_589 = arith.constant 16 : index
      %swap3A_590 = tpu.vector_load %arg22[%swap3A_589] {strides = array<i32>} : memref<48xf32, #tpu.memory_space<vmem>>, vector<16xf32>,
      %swap3A_591 = vector.shape_cast %swap3A_590 : vector<16xf32> to vector<16xf32>
      %swap3A_592 = vector.shape_cast %max3A_588 : vector<16xf32> to vector<16xf32>
      tpu.vector_store %arg22[%swap3A_589], %swap3A_592 {strides = array<i32>} : memref<48xf32, #tpu.memory_space<vmem>>, vector<16xf32>,
      %get3A_593 = arith.constant 8 : index
      %get3A_594 = tpu.vector_load %arg22[%get3A_593] {strides = array<i32>} : memref<48xf32, #tpu.memory_space<vmem>>, vector<16xf32>,
      %get3A_595 = vector.shape_cast %get3A_594 : vector<16xf32> to vector<16xf32>
      %get3A_596 = arith.constant 24 : index
      %get3A_597 = tpu.vector_load %arg22[%get3A_596] {strides = array<i32>} : memref<48xf32, #tpu.memory_space<vmem>>, vector<16xf32>,
      %get3A_598 = vector.shape_cast %get3A_597 : vector<16xf32> to vector<16xf32>
      %select_n3A_599 = arith.select %ne3A_56, %get3A_595, %get3A_598 : vector<16xi1>, vector<16xf32>
      %max3A_600 = arith.maximumf %max3A_588, %select_n3A_599 : vector<16xf32>
      %min3A_601 = arith.minimumf %max3A_588, %select_n3A_599 : vector<16xf32>
      %select_n3A_602 = arith.select %ne3A_56, %max3A_600, %min3A_601 : vector<16xi1>, vector<16xf32>
      %swap3A_603 = arith.constant 16 : index
      %swap3A_604 = tpu.vector_load %arg22[%swap3A_603] {strides = array<i32>} : memref<48xf32, #tpu.memory_space<vmem>>, vector<16xf32>,
      %swap3A_605 = vector.shape_cast %swap3A_604 : vector<16xf32> to vector<16xf32>
      %swap3A_606 = vector.shape_cast %select_n3A_602 : vector<16xf32> to vector<16xf32>
      tpu.vector_store %arg22[%swap3A_603], %swap3A_606 {strides = array<i32>} : memref<48xf32, #tpu.memory_space<vmem>>, vector<16xf32>,
      %get3A_607 = arith.constant 12 : index
      %get3A_608 = tpu.vector_load %arg22[%get3A_607] {strides = array<i32>} : memref<48xf32, #tpu.memory_space<vmem>>, vector<16xf32>,
      %get3A_609 = vector.shape_cast %get3A_608 : vector<16xf32> to vector<16xf32>
      %get3A_610 = arith.constant 20 : index
      %get3A_611 = tpu.vector_load %arg22[%get3A_610] {strides = array<i32>} : memref<48xf32, #tpu.memory_space<vmem>>, vector<16xf32>,
      %get3A_612 = vector.shape_cast %get3A_611 : vector<16xf32> to vector<16xf32>
      %select_n3A_613 = arith.select %ne3A_50, %get3A_609, %get3A_612 : vector<16xi1>, vector<16xf32>
      %max3A_614 = arith.maximumf %select_n3A_602, %select_n3A_613 : vector<16xf32>
      %min3A_615 = arith.minimumf %select_n3A_602, %select_n3A_613 : vector<16xf32>
      %select_n3A_616 = arith.select %ne3A_50, %max3A_614, %min3A_615 : vector<16xi1>, vector<16xf32>
      %swap3A_617 = arith.constant 16 : index
      %swap3A_618 = tpu.vector_load %arg22[%swap3A_617] {strides = array<i32>} : memref<48xf32, #tpu.memory_space<vmem>>, vector<16xf32>,
      %swap3A_619 = vector.shape_cast %swap3A_618 : vector<16xf32> to vector<16xf32>
      %swap3A_620 = vector.shape_cast %select_n3A_616 : vector<16xf32> to vector<16xf32>
      tpu.vector_store %arg22[%swap3A_617], %swap3A_620 {strides = array<i32>} : memref<48xf32, #tpu.memory_space<vmem>>, vector<16xf32>,
      %get3A_621 = arith.constant 14 : index
      %get3A_622 = tpu.vector_load %arg22[%get3A_621] {strides = array<i32>} : memref<48xf32, #tpu.memory_space<vmem>>, vector<16xf32>,
      %get3A_623 = vector.shape_cast %get3A_622 : vector<16xf32> to vector<16xf32>
      %get3A_624 = arith.constant 18 : index
      %get3A_625 = tpu.vector_load %arg22[%get3A_624] {strides = array<i32>} : memref<48xf32, #tpu.memory_space<vmem>>, vector<16xf32>,
      %get3A_626 = vector.shape_cast %get3A_625 : vector<16xf32> to vector<16xf32>
      %select_n3A_627 = arith.select %ne3A_44, %get3A_623, %get3A_626 : vector<16xi1>, vector<16xf32>
      %max3A_628 = arith.maximumf %select_n3A_616, %select_n3A_627 : vector<16xf32>
      %min3A_629 = arith.minimumf %select_n3A_616, %select_n3A_627 : vector<16xf32>
      %select_n3A_630 = arith.select %ne3A_44, %max3A_628, %min3A_629 : vector<16xi1>, vector<16xf32>
      %swap3A_631 = arith.constant 16 : index
      %swap3A_632 = tpu.vector_load %arg22[%swap3A_631] {strides = array<i32>} : memref<48xf32, #tpu.memory_space<vmem>>, vector<16xf32>,
      %swap3A_633 = vector.shape_cast %swap3A_632 : vector<16xf32> to vector<16xf32>
      %swap3A_634 = vector.shape_cast %select_n3A_630 : vector<16xf32> to vector<16xf32>
      tpu.vector_store %arg22[%swap3A_631], %swap3A_634 {strides = array<i32>} : memref<48xf32, #tpu.memory_space<vmem>>, vector<16xf32>,
      %get3A_635 = arith.constant 15 : index
      %get3A_636 = tpu.vector_load %arg22[%get3A_635] {strides = array<i32>} : memref<48xf32, #tpu.memory_space<vmem>>, vector<16xf32>,
      %get3A_637 = vector.shape_cast %get3A_636 : vector<16xf32> to vector<16xf32>
      %get3A_638 = arith.constant 17 : index
      %get3A_639 = tpu.vector_load %arg22[%get3A_638] {strides = array<i32>} : memref<48xf32, #tpu.memory_space<vmem>>, vector<16xf32>,
      %get3A_640 = vector.shape_cast %get3A_639 : vector<16xf32> to vector<16xf32>
      %select_n3A_641 = arith.select %ne3A_38, %get3A_637, %get3A_640 : vector<16xi1>, vector<16xf32>
      %max3A_642 = arith.maximumf %select_n3A_630, %select_n3A_641 : vector<16xf32>
      %min3A_643 = arith.minimumf %select_n3A_630, %select_n3A_641 : vector<16xf32>
      %select_n3A_644 = arith.select %ne3A_38, %max3A_642, %min3A_643 : vector<16xi1>, vector<16xf32>
      %min3A_645 = arith.minimumf %select_n3A_587, %rev3A_473 : vector<16xf32>
      %swap3A_646 = arith.constant 16 : index
      %swap3A_647 = tpu.vector_load %arg23[%swap3A_646] {strides = array<i32>} : memref<48xf32, #tpu.memory_space<vmem>>, vector<16xf32>,
      %swap3A_648 = vector.shape_cast %swap3A_647 : vector<16xf32> to vector<16xf32>
      %swap3A_649 = vector.shape_cast %min3A_645 : vector<16xf32> to vector<16xf32>
      tpu.vector_store %arg23[%swap3A_646], %swap3A_649 {strides = array<i32>} : memref<48xf32, #tpu.memory_space<vmem>>, vector<16xf32>,
      %get3A_650 = arith.constant 8 : index
      %get3A_651 = tpu.vector_load %arg23[%get3A_650] {strides = array<i32>} : memref<48xf32, #tpu.memory_space<vmem>>, vector<16xf32>,
      %get3A_652 = vector.shape_cast %get3A_651 : vector<16xf32> to vector<16xf32>
      %get3A_653 = arith.constant 24 : index
      %get3A_654 = tpu.vector_load %arg23[%get3A_653] {strides = array<i32>} : memref<48xf32, #tpu.memory_space<vmem>>, vector<16xf32>,
      %get3A_655 = vector.shape_cast %get3A_654 : vector<16xf32> to vector<16xf32>
      %select_n3A_656 = arith.select %ne3A_56, %get3A_652, %get3A_655 : vector<16xi1>, vector<16xf32>
      %max3A_657 = arith.maximumf %min3A_645, %select_n3A_656 : vector<16xf32>
      %min3A_658 = arith.minimumf %min3A_645, %select_n3A_656 : vector<16xf32>
      %select_n3A_659 = arith.select %ne3A_56, %max3A_657, %min3A_658 : vector<16xi1>, vector<16xf32>
      %swap3A_660 = arith.constant 16 : index
      %swap3A_661 = tpu.vector_load %arg23[%swap3A_660] {strides = array<i32>} : memref<48xf32, #tpu.memory_space<vmem>>, vector<16xf32>,
      %swap3A_662 = vector.shape_cast %swap3A_661 : vector<16xf32> to vector<16xf32>
      %swap3A_663 = vector.shape_cast %select_n3A_659 : vector<16xf32> to vector<16xf32>
      tpu.vector_store %arg23[%swap3A_660], %swap3A_663 {strides = array<i32>} : memref<48xf32, #tpu.memory_space<vmem>>, vector<16xf32>,
      %get3A_664 = arith.constant 12 : index
      %get3A_665 = tpu.vector_load %arg23[%get3A_664] {strides = array<i32>} : memref<48xf32, #tpu.memory_space<vmem>>, vector<16xf32>,
      %get3A_666 = vector.shape_cast %get3A_665 : vector<16xf32> to vector<16xf32>
      %get3A_667 = arith.constant 20 : index
      %get3A_668 = tpu.vector_load %arg23[%get3A_667] {strides = array<i32>} : memref<48xf32, #tpu.memory_space<vmem>>, vector<16xf32>,
      %get3A_669 = vector.shape_cast %get3A_668 : vector<16xf32> to vector<16xf32>
      %select_n3A_670 = arith.select %ne3A_50, %get3A_666, %get3A_669 : vector<16xi1>, vector<16xf32>
      %max3A_671 = arith.maximumf %select_n3A_659, %select_n3A_670 : vector<16xf32>
      %min3A_672 = arith.minimumf %select_n3A_659, %select_n3A_670 : vector<16xf32>
      %select_n3A_673 = arith.select %ne3A_50, %max3A_671, %min3A_672 : vector<16xi1>, vector<16xf32>
      %swap3A_674 = arith.constant 16 : index
      %swap3A_675 = tpu.vector_load %arg23[%swap3A_674] {strides = array<i32>} : memref<48xf32, #tpu.memory_space<vmem>>, vector<16xf32>,
      %swap3A_676 = vector.shape_cast %swap3A_675 : vector<16xf32> to vector<16xf32>
      %swap3A_677 = vector.shape_cast %select_n3A_673 : vector<16xf32> to vector<16xf32>
      tpu.vector_store %arg23[%swap3A_674], %swap3A_677 {strides = array<i32>} : memref<48xf32, #tpu.memory_space<vmem>>, vector<16xf32>,
      %get3A_678 = arith.constant 14 : index
      %get3A_679 = tpu.vector_load %arg23[%get3A_678] {strides = array<i32>} : memref<48xf32, #tpu.memory_space<vmem>>, vector<16xf32>,
      %get3A_680 = vector.shape_cast %get3A_679 : vector<16xf32> to vector<16xf32>
      %get3A_681 = arith.constant 18 : index
      %get3A_682 = tpu.vector_load %arg23[%get3A_681] {strides = array<i32>} : memref<48xf32, #tpu.memory_space<vmem>>, vector<16xf32>,
      %get3A_683 = vector.shape_cast %get3A_682 : vector<16xf32> to vector<16xf32>
      %select_n3A_684 = arith.select %ne3A_44, %get3A_680, %get3A_683 : vector<16xi1>, vector<16xf32>
      %max3A_685 = arith.maximumf %select_n3A_673, %select_n3A_684 : vector<16xf32>
      %min3A_686 = arith.minimumf %select_n3A_673, %select_n3A_684 : vector<16xf32>
      %select_n3A_687 = arith.select %ne3A_44, %max3A_685, %min3A_686 : vector<16xi1>, vector<16xf32>
      %swap3A_688 = arith.constant 16 : index
      %swap3A_689 = tpu.vector_load %arg23[%swap3A_688] {strides = array<i32>} : memref<48xf32, #tpu.memory_space<vmem>>, vector<16xf32>,
      %swap3A_690 = vector.shape_cast %swap3A_689 : vector<16xf32> to vector<16xf32>
      %swap3A_691 = vector.shape_cast %select_n3A_687 : vector<16xf32> to vector<16xf32>
      tpu.vector_store %arg23[%swap3A_688], %swap3A_691 {strides = array<i32>} : memref<48xf32, #tpu.memory_space<vmem>>, vector<16xf32>,
      %get3A_692 = arith.constant 15 : index
      %get3A_693 = tpu.vector_load %arg23[%get3A_692] {strides = array<i32>} : memref<48xf32, #tpu.memory_space<vmem>>, vector<16xf32>,
      %get3A_694 = vector.shape_cast %get3A_693 : vector<16xf32> to vector<16xf32>
      %get3A_695 = arith.constant 17 : index
      %get3A_696 = tpu.vector_load %arg23[%get3A_695] {strides = array<i32>} : memref<48xf32, #tpu.memory_space<vmem>>, vector<16xf32>,
      %get3A_697 = vector.shape_cast %get3A_696 : vector<16xf32> to vector<16xf32>
      %select_n3A_698 = arith.select %ne3A_38, %get3A_694, %get3A_697 : vector<16xi1>, vector<16xf32>
      %max3A_699 = arith.maximumf %select_n3A_687, %select_n3A_698 : vector<16xf32>
      %min3A_700 = arith.minimumf %select_n3A_687, %select_n3A_698 : vector<16xf32>
      %select_n3A_701 = arith.select %ne3A_38, %max3A_699, %min3A_700 : vector<16xi1>, vector<16xf32>
      scf.yield %select_n3A_644, %select_n3A_701 : vector<16xf32>, vector<16xf32>
    }
    %scan3A_156 = arith.constant 32 : i32
    %swap3A_157 = arith.constant 0 : index
    %swap3A_158 = tpu.vector_load %arg10[%swap3A_157] {strides = array<i32>} : memref<16xf32, #tpu.memory_space<vmem>>, vector<16xf32>,
    %swap3A_159 = vector.shape_cast %swap3A_158 : vector<16xf32> to vector<16xf32>
    %swap3A_160 = vector.shape_cast %scan3A_155#0 : vector<16xf32> to vector<16xf32>
    tpu.vector_store %arg10[%swap3A_157], %swap3A_160 {strides = array<i32>} : memref<16xf32, #tpu.memory_space<vmem>>, vector<16xf32>,
    %swap3A_161 = arith.constant 0 : index
    %swap3A_162 = tpu.vector_load %arg11[%swap3A_161] {strides = array<i32>} : memref<16xf32, #tpu.memory_space<vmem>>, vector<16xf32>,
    %swap3A_163 = vector.shape_cast %swap3A_162 : vector<16xf32> to vector<16xf32>
    %swap3A_164 = vector.shape_cast %scan3A_155#1 : vector<16xf32> to vector<16xf32>
    tpu.vector_store %arg11[%swap3A_161], %swap3A_164 {strides = array<i32>} : memref<16xf32, #tpu.memory_space<vmem>>, vector<16xf32>,
    "tpu.region"() ({
      %run_scoped3A = tpu.sem_alloc : memref<!tpu.dma_semaphore, #tpu.memory_space<semaphore_mem>>
      %dma_start3A = arith.constant 0 : i32
      %dma_start3A_169 = tpu.memref_slice %arg6[%add3A, %select_n3A_30, %dma_start3A] : memref<8x4x16xf32, #tpu.memory_space<hbm>> -> memref<1x1x16xf32, #tpu.memory_space<hbm>>
      %dma_start3A_170 = tpu.memref_squeeze %dma_start3A_169 : memref<1x1x16xf32, #tpu.memory_space<hbm>> -> memref<16xf32, #tpu.memory_space<hbm>>
      %dma_start3A_171 = arith.constant 0 : i32
      %dma_start3A_172 = tpu.memref_slice %arg6[%add3A, %select_n3A_30, %dma_start3A_171] : memref<8x4x16xf32, #tpu.memory_space<hbm>> -> memref<1x1x16xf32, #tpu.memory_space<hbm>>
      %dma_start3A_173 = tpu.memref_squeeze %dma_start3A_172 : memref<1x1x16xf32, #tpu.memory_space<hbm>> -> memref<16xf32, #tpu.memory_space<hbm>>
      tpu.enqueue_dma source(%arg10 : memref<16xf32, #tpu.memory_space<vmem>>) target(%dma_start3A_173 : memref<16xf32, #tpu.memory_space<hbm>>) target_semaphore(%run_scoped3A : memref<!tpu.dma_semaphore, #tpu.memory_space<semaphore_mem>>)
      %dma_wait3A = arith.constant 0 : i32
      %dma_wait3A_174 = tpu.memref_slice %arg6[%add3A, %select_n3A_30, %dma_wait3A] : memref<8x4x16xf32, #tpu.memory_space<hbm>> -> memref<1x1x16xf32, #tpu.memory_space<hbm>>
      %dma_wait3A_175 = tpu.memref_squeeze %dma_wait3A_174 : memref<1x1x16xf32, #tpu.memory_space<hbm>> -> memref<16xf32, #tpu.memory_space<hbm>>
      %dma_wait3A_176 = arith.constant 0 : i32
      %dma_wait3A_177 = tpu.memref_slice %arg6[%add3A, %select_n3A_30, %dma_wait3A_176] : memref<8x4x16xf32, #tpu.memory_space<hbm>> -> memref<1x1x16xf32, #tpu.memory_space<hbm>>
      %dma_wait3A_178 = tpu.memref_squeeze %dma_wait3A_177 : memref<1x1x16xf32, #tpu.memory_space<hbm>> -> memref<16xf32, #tpu.memory_space<hbm>>
      tpu.wait_dma2 semaphore(%run_scoped3A : memref<!tpu.dma_semaphore, #tpu.memory_space<semaphore_mem>>) src(%arg10 : memref<16xf32, #tpu.memory_space<vmem>>) dst(%dma_wait3A_178 : memref<16xf32, #tpu.memory_space<hbm>>)
      tpu.yield
    }) : () -> ()
    "tpu.region"() ({
      %run_scoped3A = tpu.sem_alloc : memref<!tpu.dma_semaphore, #tpu.memory_space<semaphore_mem>>
      %dma_start3A = arith.constant 0 : i32
      %dma_start3A_169 = tpu.memref_slice %arg7[%add3A, %select_n3A_30, %dma_start3A] : memref<8x4x16xf32, #tpu.memory_space<hbm>> -> memref<1x1x16xf32, #tpu.memory_space<hbm>>
      %dma_start3A_170 = tpu.memref_squeeze %dma_start3A_169 : memref<1x1x16xf32, #tpu.memory_space<hbm>> -> memref<16xf32, #tpu.memory_space<hbm>>
      %dma_start3A_171 = arith.constant 0 : i32
      %dma_start3A_172 = tpu.memref_slice %arg7[%add3A, %select_n3A_30, %dma_start3A_171] : memref<8x4x16xf32, #tpu.memory_space<hbm>> -> memref<1x1x16xf32, #tpu.memory_space<hbm>>
      %dma_start3A_173 = tpu.memref_squeeze %dma_start3A_172 : memref<1x1x16xf32, #tpu.memory_space<hbm>> -> memref<16xf32, #tpu.memory_space<hbm>>
      tpu.enqueue_dma source(%arg11 : memref<16xf32, #tpu.memory_space<vmem>>) target(%dma_start3A_173 : memref<16xf32, #tpu.memory_space<hbm>>) target_semaphore(%run_scoped3A : memref<!tpu.dma_semaphore, #tpu.memory_space<semaphore_mem>>)
      %dma_wait3A = arith.constant 0 : i32
      %dma_wait3A_174 = tpu.memref_slice %arg7[%add3A, %select_n3A_30, %dma_wait3A] : memref<8x4x16xf32, #tpu.memory_space<hbm>> -> memref<1x1x16xf32, #tpu.memory_space<hbm>>
      %dma_wait3A_175 = tpu.memref_squeeze %dma_wait3A_174 : memref<1x1x16xf32, #tpu.memory_space<hbm>> -> memref<16xf32, #tpu.memory_space<hbm>>
      %dma_wait3A_176 = arith.constant 0 : i32
      %dma_wait3A_177 = tpu.memref_slice %arg7[%add3A, %select_n3A_30, %dma_wait3A_176] : memref<8x4x16xf32, #tpu.memory_space<hbm>> -> memref<1x1x16xf32, #tpu.memory_space<hbm>>
      %dma_wait3A_178 = tpu.memref_squeeze %dma_wait3A_177 : memref<1x1x16xf32, #tpu.memory_space<hbm>> -> memref<16xf32, #tpu.memory_space<hbm>>
      tpu.wait_dma2 semaphore(%run_scoped3A : memref<!tpu.dma_semaphore, #tpu.memory_space<semaphore_mem>>) src(%arg11 : memref<16xf32, #tpu.memory_space<vmem>>) dst(%dma_wait3A_178 : memref<16xf32, #tpu.memory_space<hbm>>)
      tpu.yield
    }) : () -> ()
    %barrier3A = arith.constant 0 : index
    tpu.barrier barrier_id(%barrier3A)
    %barrier3A_165 = arith.constant 0 : index
    tpu.barrier barrier_id(%barrier3A_165)
    %eq3A_166 = arith.constant 0 : i32
    %eq3A_167 = arith.cmpi eq, %select_n3A_30, %eq3A_166 : i32
    %convert_element_type3A = arith.extui %eq3A_167 : i1 to i32
    %cond3A = arith.constant 0 : i32
    %cond3A_168 = arith.cmpi ne, %convert_element_type3A, %cond3A : i32
    scf.if %cond3A_168 {
      "tpu.region"() ({
        %run_scoped3A = tpu.sem_alloc : memref<!tpu.dma_semaphore, #tpu.memory_space<semaphore_mem>>
        %dma_start3A = arith.constant 0 : i32
        %dma_start3A_594 = arith.constant 0 : i32
        %dma_start3A_595 = tpu.memref_slice %arg6[%add3A, %dma_start3A, %dma_start3A_594] : memref<8x4x16xf32, #tpu.memory_space<hbm>> -> memref<1x4x16xf32, #tpu.memory_space<hbm>>
        %dma_start3A_596 = tpu.memref_squeeze %dma_start3A_595 : memref<1x4x16xf32, #tpu.memory_space<hbm>> -> memref<4x16xf32, #tpu.memory_space<hbm>>
        %dma_start3A_597 = arith.constant 0 : i32
        %dma_start3A_598 = arith.constant 0 : i32
        %dma_start3A_599 = tpu.memref_slice %arg6[%add3A, %dma_start3A_597, %dma_start3A_598] : memref<8x4x16xf32, #tpu.memory_space<hbm>> -> memref<1x4x16xf32, #tpu.memory_space<hbm>>
        %dma_start3A_600 = tpu.memref_squeeze %dma_start3A_599 : memref<1x4x16xf32, #tpu.memory_space<hbm>> -> memref<4x16xf32, #tpu.memory_space<hbm>>
        tpu.enqueue_dma source(%dma_start3A_600 : memref<4x16xf32, #tpu.memory_space<hbm>>) target(%arg12 : memref<4x16xf32, #tpu.memory_space<vmem>>) target_semaphore(%run_scoped3A : memref<!tpu.dma_semaphore, #tpu.memory_space<semaphore_mem>>)
        %dma_wait3A = arith.constant 0 : i32
        %dma_wait3A_601 = arith.constant 0 : i32
        %dma_wait3A_602 = tpu.memref_slice %arg6[%add3A, %dma_wait3A, %dma_wait3A_601] : memref<8x4x16xf32, #tpu.memory_space<hbm>> -> memref<1x4x16xf32, #tpu.memory_space<hbm>>
        %dma_wait3A_603 = tpu.memref_squeeze %dma_wait3A_602 : memref<1x4x16xf32, #tpu.memory_space<hbm>> -> memref<4x16xf32, #tpu.memory_space<hbm>>
        %dma_wait3A_604 = arith.constant 0 : i32
        %dma_wait3A_605 = arith.constant 0 : i32
        %dma_wait3A_606 = tpu.memref_slice %arg6[%add3A, %dma_wait3A_604, %dma_wait3A_605] : memref<8x4x16xf32, #tpu.memory_space<hbm>> -> memref<1x4x16xf32, #tpu.memory_space<hbm>>
        %dma_wait3A_607 = tpu.memref_squeeze %dma_wait3A_606 : memref<1x4x16xf32, #tpu.memory_space<hbm>> -> memref<4x16xf32, #tpu.memory_space<hbm>>
        tpu.wait_dma2 semaphore(%run_scoped3A : memref<!tpu.dma_semaphore, #tpu.memory_space<semaphore_mem>>) src(%dma_wait3A_607 : memref<4x16xf32, #tpu.memory_space<hbm>>) dst(%arg12 : memref<4x16xf32, #tpu.memory_space<vmem>>)
        tpu.yield
      }) : () -> ()
      "tpu.region"() ({
        %run_scoped3A = tpu.sem_alloc : memref<!tpu.dma_semaphore, #tpu.memory_space<semaphore_mem>>
        %dma_start3A = arith.constant 0 : i32
        %dma_start3A_594 = arith.constant 0 : i32
        %dma_start3A_595 = tpu.memref_slice %arg7[%add3A, %dma_start3A, %dma_start3A_594] : memref<8x4x16xf32, #tpu.memory_space<hbm>> -> memref<1x4x16xf32, #tpu.memory_space<hbm>>
        %dma_start3A_596 = tpu.memref_squeeze %dma_start3A_595 : memref<1x4x16xf32, #tpu.memory_space<hbm>> -> memref<4x16xf32, #tpu.memory_space<hbm>>
        %dma_start3A_597 = arith.constant 0 : i32
        %dma_start3A_598 = arith.constant 0 : i32
        %dma_start3A_599 = tpu.memref_slice %arg7[%add3A, %dma_start3A_597, %dma_start3A_598] : memref<8x4x16xf32, #tpu.memory_space<hbm>> -> memref<1x4x16xf32, #tpu.memory_space<hbm>>
        %dma_start3A_600 = tpu.memref_squeeze %dma_start3A_599 : memref<1x4x16xf32, #tpu.memory_space<hbm>> -> memref<4x16xf32, #tpu.memory_space<hbm>>
        tpu.enqueue_dma source(%dma_start3A_600 : memref<4x16xf32, #tpu.memory_space<hbm>>) target(%arg13 : memref<4x16xf32, #tpu.memory_space<vmem>>) target_semaphore(%run_scoped3A : memref<!tpu.dma_semaphore, #tpu.memory_space<semaphore_mem>>)
        %dma_wait3A = arith.constant 0 : i32
        %dma_wait3A_601 = arith.constant 0 : i32
        %dma_wait3A_602 = tpu.memref_slice %arg7[%add3A, %dma_wait3A, %dma_wait3A_601] : memref<8x4x16xf32, #tpu.memory_space<hbm>> -> memref<1x4x16xf32, #tpu.memory_space<hbm>>
        %dma_wait3A_603 = tpu.memref_squeeze %dma_wait3A_602 : memref<1x4x16xf32, #tpu.memory_space<hbm>> -> memref<4x16xf32, #tpu.memory_space<hbm>>
        %dma_wait3A_604 = arith.constant 0 : i32
        %dma_wait3A_605 = arith.constant 0 : i32
        %dma_wait3A_606 = tpu.memref_slice %arg7[%add3A, %dma_wait3A_604, %dma_wait3A_605] : memref<8x4x16xf32, #tpu.memory_space<hbm>> -> memref<1x4x16xf32, #tpu.memory_space<hbm>>
        %dma_wait3A_607 = tpu.memref_squeeze %dma_wait3A_606 : memref<1x4x16xf32, #tpu.memory_space<hbm>> -> memref<4x16xf32, #tpu.memory_space<hbm>>
        tpu.wait_dma2 semaphore(%run_scoped3A : memref<!tpu.dma_semaphore, #tpu.memory_space<semaphore_mem>>) src(%dma_wait3A_607 : memref<4x16xf32, #tpu.memory_space<hbm>>) dst(%arg13 : memref<4x16xf32, #tpu.memory_space<vmem>>)
        tpu.yield
      }) : () -> ()
      "tpu.region"() ({
        %run_scoped3A = tpu.sem_alloc : memref<!tpu.dma_semaphore, #tpu.memory_space<semaphore_mem>>
        tpu.enqueue_dma source(%arg3 : memref<16xf32, #tpu.memory_space<hbm>>) target(%arg14 : memref<16xf32, #tpu.memory_space<vmem>>) target_semaphore(%run_scoped3A : memref<!tpu.dma_semaphore, #tpu.memory_space<semaphore_mem>>)
        tpu.wait_dma2 semaphore(%run_scoped3A : memref<!tpu.dma_semaphore, #tpu.memory_space<semaphore_mem>>) src(%arg3 : memref<16xf32, #tpu.memory_space<hbm>>) dst(%arg14 : memref<16xf32, #tpu.memory_space<vmem>>)
        tpu.yield
      }) : () -> ()
      "tpu.region"() ({
        %run_scoped3A = tpu.sem_alloc : memref<!tpu.dma_semaphore, #tpu.memory_space<semaphore_mem>>
        tpu.enqueue_dma source(%arg4 : memref<16xf32, #tpu.memory_space<hbm>>) target(%arg15 : memref<16xf32, #tpu.memory_space<vmem>>) target_semaphore(%run_scoped3A : memref<!tpu.dma_semaphore, #tpu.memory_space<semaphore_mem>>)
        tpu.wait_dma2 semaphore(%run_scoped3A : memref<!tpu.dma_semaphore, #tpu.memory_space<semaphore_mem>>) src(%arg4 : memref<16xf32, #tpu.memory_space<hbm>>) dst(%arg15 : memref<16xf32, #tpu.memory_space<vmem>>)
        tpu.yield
      }) : () -> ()
      "tpu.region"() ({
        %run_scoped3A = tpu.sem_alloc : memref<!tpu.dma_semaphore, #tpu.memory_space<semaphore_mem>>
        tpu.enqueue_dma source(%arg5 : memref<16xf32, #tpu.memory_space<hbm>>) target(%arg16 : memref<16xf32, #tpu.memory_space<vmem>>) target_semaphore(%run_scoped3A : memref<!tpu.dma_semaphore, #tpu.memory_space<semaphore_mem>>)
        tpu.wait_dma2 semaphore(%run_scoped3A : memref<!tpu.dma_semaphore, #tpu.memory_space<semaphore_mem>>) src(%arg5 : memref<16xf32, #tpu.memory_space<hbm>>) dst(%arg16 : memref<16xf32, #tpu.memory_space<vmem>>)
        tpu.yield
      }) : () -> ()
      %get3A = arith.constant 0 : i32
      %get3A_169 = arith.index_cast %get3A : i32 to index
      %get3A_170 = arith.constant 0 : index
      %get3A_171 = tpu.vector_load %arg12[%get3A_169, %get3A_170] {strides = array<i32>} : memref<4x16xf32, #tpu.memory_space<vmem>>, vector<1x16xf32>,
      %get3A_172 = vector.shape_cast %get3A_171 : vector<1x16xf32> to vector<16xf32>
      %get3A_173 = arith.constant 0 : i32
      %get3A_174 = arith.index_cast %get3A_173 : i32 to index
      %get3A_175 = arith.constant 0 : index
      %get3A_176 = tpu.vector_load %arg13[%get3A_174, %get3A_175] {strides = array<i32>} : memref<4x16xf32, #tpu.memory_space<vmem>>, vector<1x16xf32>,
      %get3A_177 = vector.shape_cast %get3A_176 : vector<1x16xf32> to vector<16xf32>
      %get3A_178 = arith.constant 1 : i32
      %get3A_179 = arith.index_cast %get3A_178 : i32 to index
      %get3A_180 = arith.constant 0 : index
      %get3A_181 = tpu.vector_load %arg12[%get3A_179, %get3A_180] {strides = array<i32>} : memref<4x16xf32, #tpu.memory_space<vmem>>, vector<1x16xf32>,
      %get3A_182 = vector.shape_cast %get3A_181 : vector<1x16xf32> to vector<16xf32>
      %rev3A = arith.constant 15 : i32
      %rev3A_183 = vector.broadcast %rev3A : i32 to vector<16xi32>
      %rev3A_184 = tpu.iota {dimensions = array<i32: 0>} : vector<16xi32>
      %rev3A_185 = arith.subi %rev3A_183, %rev3A_184 : vector<16xi32>
      %rev3A_186 = tpu.dynamic_gather %get3A_182[%rev3A_185] in [0] : vector<16xf32>, vector<16xi32> -> vector<16xf32>
      %max3A = arith.maximumf %get3A_172, %rev3A_186 : vector<16xf32>
      %swap3A_187 = arith.constant 16 : index
      %swap3A_188 = tpu.vector_load %arg18[%swap3A_187] {strides = array<i32>} : memref<48xf32, #tpu.memory_space<vmem>>, vector<16xf32>,
      %swap3A_189 = vector.shape_cast %swap3A_188 : vector<16xf32> to vector<16xf32>
      %swap3A_190 = vector.shape_cast %max3A : vector<16xf32> to vector<16xf32>
      tpu.vector_store %arg18[%swap3A_187], %swap3A_190 {strides = array<i32>} : memref<48xf32, #tpu.memory_space<vmem>>, vector<16xf32>,
      %get3A_191 = arith.constant 8 : index
      %get3A_192 = tpu.vector_load %arg18[%get3A_191] {strides = array<i32>} : memref<48xf32, #tpu.memory_space<vmem>>, vector<16xf32>,
      %get3A_193 = vector.shape_cast %get3A_192 : vector<16xf32> to vector<16xf32>
      %get3A_194 = arith.constant 24 : index
      %get3A_195 = tpu.vector_load %arg18[%get3A_194] {strides = array<i32>} : memref<48xf32, #tpu.memory_space<vmem>>, vector<16xf32>,
      %get3A_196 = vector.shape_cast %get3A_195 : vector<16xf32> to vector<16xf32>
      %select_n3A_197 = arith.select %ne3A_56, %get3A_193, %get3A_196 : vector<16xi1>, vector<16xf32>
      %max3A_198 = arith.maximumf %max3A, %select_n3A_197 : vector<16xf32>
      %min3A = arith.minimumf %max3A, %select_n3A_197 : vector<16xf32>
      %select_n3A_199 = arith.select %ne3A_56, %max3A_198, %min3A : vector<16xi1>, vector<16xf32>
      %swap3A_200 = arith.constant 16 : index
      %swap3A_201 = tpu.vector_load %arg18[%swap3A_200] {strides = array<i32>} : memref<48xf32, #tpu.memory_space<vmem>>, vector<16xf32>,
      %swap3A_202 = vector.shape_cast %swap3A_201 : vector<16xf32> to vector<16xf32>
      %swap3A_203 = vector.shape_cast %select_n3A_199 : vector<16xf32> to vector<16xf32>
      tpu.vector_store %arg18[%swap3A_200], %swap3A_203 {strides = array<i32>} : memref<48xf32, #tpu.memory_space<vmem>>, vector<16xf32>,
      %get3A_204 = arith.constant 12 : index
      %get3A_205 = tpu.vector_load %arg18[%get3A_204] {strides = array<i32>} : memref<48xf32, #tpu.memory_space<vmem>>, vector<16xf32>,
      %get3A_206 = vector.shape_cast %get3A_205 : vector<16xf32> to vector<16xf32>
      %get3A_207 = arith.constant 20 : index
      %get3A_208 = tpu.vector_load %arg18[%get3A_207] {strides = array<i32>} : memref<48xf32, #tpu.memory_space<vmem>>, vector<16xf32>,
      %get3A_209 = vector.shape_cast %get3A_208 : vector<16xf32> to vector<16xf32>
      %select_n3A_210 = arith.select %ne3A_50, %get3A_206, %get3A_209 : vector<16xi1>, vector<16xf32>
      %max3A_211 = arith.maximumf %select_n3A_199, %select_n3A_210 : vector<16xf32>
      %min3A_212 = arith.minimumf %select_n3A_199, %select_n3A_210 : vector<16xf32>
      %select_n3A_213 = arith.select %ne3A_50, %max3A_211, %min3A_212 : vector<16xi1>, vector<16xf32>
      %swap3A_214 = arith.constant 16 : index
      %swap3A_215 = tpu.vector_load %arg18[%swap3A_214] {strides = array<i32>} : memref<48xf32, #tpu.memory_space<vmem>>, vector<16xf32>,
      %swap3A_216 = vector.shape_cast %swap3A_215 : vector<16xf32> to vector<16xf32>
      %swap3A_217 = vector.shape_cast %select_n3A_213 : vector<16xf32> to vector<16xf32>
      tpu.vector_store %arg18[%swap3A_214], %swap3A_217 {strides = array<i32>} : memref<48xf32, #tpu.memory_space<vmem>>, vector<16xf32>,
      %get3A_218 = arith.constant 14 : index
      %get3A_219 = tpu.vector_load %arg18[%get3A_218] {strides = array<i32>} : memref<48xf32, #tpu.memory_space<vmem>>, vector<16xf32>,
      %get3A_220 = vector.shape_cast %get3A_219 : vector<16xf32> to vector<16xf32>
      %get3A_221 = arith.constant 18 : index
      %get3A_222 = tpu.vector_load %arg18[%get3A_221] {strides = array<i32>} : memref<48xf32, #tpu.memory_space<vmem>>, vector<16xf32>,
      %get3A_223 = vector.shape_cast %get3A_222 : vector<16xf32> to vector<16xf32>
      %select_n3A_224 = arith.select %ne3A_44, %get3A_220, %get3A_223 : vector<16xi1>, vector<16xf32>
      %max3A_225 = arith.maximumf %select_n3A_213, %select_n3A_224 : vector<16xf32>
      %min3A_226 = arith.minimumf %select_n3A_213, %select_n3A_224 : vector<16xf32>
      %select_n3A_227 = arith.select %ne3A_44, %max3A_225, %min3A_226 : vector<16xi1>, vector<16xf32>
      %swap3A_228 = arith.constant 16 : index
      %swap3A_229 = tpu.vector_load %arg18[%swap3A_228] {strides = array<i32>} : memref<48xf32, #tpu.memory_space<vmem>>, vector<16xf32>,
      %swap3A_230 = vector.shape_cast %swap3A_229 : vector<16xf32> to vector<16xf32>
      %swap3A_231 = vector.shape_cast %select_n3A_227 : vector<16xf32> to vector<16xf32>
      tpu.vector_store %arg18[%swap3A_228], %swap3A_231 {strides = array<i32>} : memref<48xf32, #tpu.memory_space<vmem>>, vector<16xf32>,
      %get3A_232 = arith.constant 15 : index
      %get3A_233 = tpu.vector_load %arg18[%get3A_232] {strides = array<i32>} : memref<48xf32, #tpu.memory_space<vmem>>, vector<16xf32>,
      %get3A_234 = vector.shape_cast %get3A_233 : vector<16xf32> to vector<16xf32>
      %get3A_235 = arith.constant 17 : index
      %get3A_236 = tpu.vector_load %arg18[%get3A_235] {strides = array<i32>} : memref<48xf32, #tpu.memory_space<vmem>>, vector<16xf32>,
      %get3A_237 = vector.shape_cast %get3A_236 : vector<16xf32> to vector<16xf32>
      %select_n3A_238 = arith.select %ne3A_38, %get3A_234, %get3A_237 : vector<16xi1>, vector<16xf32>
      %max3A_239 = arith.maximumf %select_n3A_227, %select_n3A_238 : vector<16xf32>
      %min3A_240 = arith.minimumf %select_n3A_227, %select_n3A_238 : vector<16xf32>
      %select_n3A_241 = arith.select %ne3A_38, %max3A_239, %min3A_240 : vector<16xi1>, vector<16xf32>
      %get3A_242 = arith.constant 1 : i32
      %get3A_243 = arith.index_cast %get3A_242 : i32 to index
      %get3A_244 = arith.constant 0 : index
      %get3A_245 = tpu.vector_load %arg13[%get3A_243, %get3A_244] {strides = array<i32>} : memref<4x16xf32, #tpu.memory_space<vmem>>, vector<1x16xf32>,
      %get3A_246 = vector.shape_cast %get3A_245 : vector<1x16xf32> to vector<16xf32>
      %rev3A_247 = arith.constant 15 : i32
      %rev3A_248 = vector.broadcast %rev3A_247 : i32 to vector<16xi32>
      %rev3A_249 = tpu.iota {dimensions = array<i32: 0>} : vector<16xi32>
      %rev3A_250 = arith.subi %rev3A_248, %rev3A_249 : vector<16xi32>
      %rev3A_251 = tpu.dynamic_gather %get3A_246[%rev3A_250] in [0] : vector<16xf32>, vector<16xi32> -> vector<16xf32>
      %min3A_252 = arith.minimumf %get3A_177, %rev3A_251 : vector<16xf32>
      %swap3A_253 = arith.constant 16 : index
      %swap3A_254 = tpu.vector_load %arg18[%swap3A_253] {strides = array<i32>} : memref<48xf32, #tpu.memory_space<vmem>>, vector<16xf32>,
      %swap3A_255 = vector.shape_cast %swap3A_254 : vector<16xf32> to vector<16xf32>
      %swap3A_256 = vector.shape_cast %min3A_252 : vector<16xf32> to vector<16xf32>
      tpu.vector_store %arg18[%swap3A_253], %swap3A_256 {strides = array<i32>} : memref<48xf32, #tpu.memory_space<vmem>>, vector<16xf32>,
      %get3A_257 = arith.constant 8 : index
      %get3A_258 = tpu.vector_load %arg18[%get3A_257] {strides = array<i32>} : memref<48xf32, #tpu.memory_space<vmem>>, vector<16xf32>,
      %get3A_259 = vector.shape_cast %get3A_258 : vector<16xf32> to vector<16xf32>
      %get3A_260 = arith.constant 24 : index
      %get3A_261 = tpu.vector_load %arg18[%get3A_260] {strides = array<i32>} : memref<48xf32, #tpu.memory_space<vmem>>, vector<16xf32>,
      %get3A_262 = vector.shape_cast %get3A_261 : vector<16xf32> to vector<16xf32>
      %select_n3A_263 = arith.select %ne3A_56, %get3A_259, %get3A_262 : vector<16xi1>, vector<16xf32>
      %max3A_264 = arith.maximumf %min3A_252, %select_n3A_263 : vector<16xf32>
      %min3A_265 = arith.minimumf %min3A_252, %select_n3A_263 : vector<16xf32>
      %select_n3A_266 = arith.select %ne3A_56, %max3A_264, %min3A_265 : vector<16xi1>, vector<16xf32>
      %swap3A_267 = arith.constant 16 : index
      %swap3A_268 = tpu.vector_load %arg18[%swap3A_267] {strides = array<i32>} : memref<48xf32, #tpu.memory_space<vmem>>, vector<16xf32>,
      %swap3A_269 = vector.shape_cast %swap3A_268 : vector<16xf32> to vector<16xf32>
      %swap3A_270 = vector.shape_cast %select_n3A_266 : vector<16xf32> to vector<16xf32>
      tpu.vector_store %arg18[%swap3A_267], %swap3A_270 {strides = array<i32>} : memref<48xf32, #tpu.memory_space<vmem>>, vector<16xf32>,
      %get3A_271 = arith.constant 12 : index
      %get3A_272 = tpu.vector_load %arg18[%get3A_271] {strides = array<i32>} : memref<48xf32, #tpu.memory_space<vmem>>, vector<16xf32>,
      %get3A_273 = vector.shape_cast %get3A_272 : vector<16xf32> to vector<16xf32>
      %get3A_274 = arith.constant 20 : index
      %get3A_275 = tpu.vector_load %arg18[%get3A_274] {strides = array<i32>} : memref<48xf32, #tpu.memory_space<vmem>>, vector<16xf32>,
      %get3A_276 = vector.shape_cast %get3A_275 : vector<16xf32> to vector<16xf32>
      %select_n3A_277 = arith.select %ne3A_50, %get3A_273, %get3A_276 : vector<16xi1>, vector<16xf32>
      %max3A_278 = arith.maximumf %select_n3A_266, %select_n3A_277 : vector<16xf32>
      %min3A_279 = arith.minimumf %select_n3A_266, %select_n3A_277 : vector<16xf32>
      %select_n3A_280 = arith.select %ne3A_50, %max3A_278, %min3A_279 : vector<16xi1>, vector<16xf32>
      %swap3A_281 = arith.constant 16 : index
      %swap3A_282 = tpu.vector_load %arg18[%swap3A_281] {strides = array<i32>} : memref<48xf32, #tpu.memory_space<vmem>>, vector<16xf32>,
      %swap3A_283 = vector.shape_cast %swap3A_282 : vector<16xf32> to vector<16xf32>
      %swap3A_284 = vector.shape_cast %select_n3A_280 : vector<16xf32> to vector<16xf32>
      tpu.vector_store %arg18[%swap3A_281], %swap3A_284 {strides = array<i32>} : memref<48xf32, #tpu.memory_space<vmem>>, vector<16xf32>,
      %get3A_285 = arith.constant 14 : index
      %get3A_286 = tpu.vector_load %arg18[%get3A_285] {strides = array<i32>} : memref<48xf32, #tpu.memory_space<vmem>>, vector<16xf32>,
      %get3A_287 = vector.shape_cast %get3A_286 : vector<16xf32> to vector<16xf32>
      %get3A_288 = arith.constant 18 : index
      %get3A_289 = tpu.vector_load %arg18[%get3A_288] {strides = array<i32>} : memref<48xf32, #tpu.memory_space<vmem>>, vector<16xf32>,
      %get3A_290 = vector.shape_cast %get3A_289 : vector<16xf32> to vector<16xf32>
      %select_n3A_291 = arith.select %ne3A_44, %get3A_287, %get3A_290 : vector<16xi1>, vector<16xf32>
      %max3A_292 = arith.maximumf %select_n3A_280, %select_n3A_291 : vector<16xf32>
      %min3A_293 = arith.minimumf %select_n3A_280, %select_n3A_291 : vector<16xf32>
      %select_n3A_294 = arith.select %ne3A_44, %max3A_292, %min3A_293 : vector<16xi1>, vector<16xf32>
      %swap3A_295 = arith.constant 16 : index
      %swap3A_296 = tpu.vector_load %arg18[%swap3A_295] {strides = array<i32>} : memref<48xf32, #tpu.memory_space<vmem>>, vector<16xf32>,
      %swap3A_297 = vector.shape_cast %swap3A_296 : vector<16xf32> to vector<16xf32>
      %swap3A_298 = vector.shape_cast %select_n3A_294 : vector<16xf32> to vector<16xf32>
      tpu.vector_store %arg18[%swap3A_295], %swap3A_298 {strides = array<i32>} : memref<48xf32, #tpu.memory_space<vmem>>, vector<16xf32>,
      %get3A_299 = arith.constant 15 : index
      %get3A_300 = tpu.vector_load %arg18[%get3A_299] {strides = array<i32>} : memref<48xf32, #tpu.memory_space<vmem>>, vector<16xf32>,
      %get3A_301 = vector.shape_cast %get3A_300 : vector<16xf32> to vector<16xf32>
      %get3A_302 = arith.constant 17 : index
      %get3A_303 = tpu.vector_load %arg18[%get3A_302] {strides = array<i32>} : memref<48xf32, #tpu.memory_space<vmem>>, vector<16xf32>,
      %get3A_304 = vector.shape_cast %get3A_303 : vector<16xf32> to vector<16xf32>
      %select_n3A_305 = arith.select %ne3A_38, %get3A_301, %get3A_304 : vector<16xi1>, vector<16xf32>
      %max3A_306 = arith.maximumf %select_n3A_294, %select_n3A_305 : vector<16xf32>
      %min3A_307 = arith.minimumf %select_n3A_294, %select_n3A_305 : vector<16xf32>
      %select_n3A_308 = arith.select %ne3A_38, %max3A_306, %min3A_307 : vector<16xi1>, vector<16xf32>
      %get3A_309 = arith.constant 2 : i32
      %get3A_310 = arith.index_cast %get3A_309 : i32 to index
      %get3A_311 = arith.constant 0 : index
      %get3A_312 = tpu.vector_load %arg12[%get3A_310, %get3A_311] {strides = array<i32>} : memref<4x16xf32, #tpu.memory_space<vmem>>, vector<1x16xf32>,
      %get3A_313 = vector.shape_cast %get3A_312 : vector<1x16xf32> to vector<16xf32>
      %rev3A_314 = arith.constant 15 : i32
      %rev3A_315 = vector.broadcast %rev3A_314 : i32 to vector<16xi32>
      %rev3A_316 = tpu.iota {dimensions = array<i32: 0>} : vector<16xi32>
      %rev3A_317 = arith.subi %rev3A_315, %rev3A_316 : vector<16xi32>
      %rev3A_318 = tpu.dynamic_gather %get3A_313[%rev3A_317] in [0] : vector<16xf32>, vector<16xi32> -> vector<16xf32>
      %max3A_319 = arith.maximumf %select_n3A_241, %rev3A_318 : vector<16xf32>
      %swap3A_320 = arith.constant 16 : index
      %swap3A_321 = tpu.vector_load %arg18[%swap3A_320] {strides = array<i32>} : memref<48xf32, #tpu.memory_space<vmem>>, vector<16xf32>,
      %swap3A_322 = vector.shape_cast %swap3A_321 : vector<16xf32> to vector<16xf32>
      %swap3A_323 = vector.shape_cast %max3A_319 : vector<16xf32> to vector<16xf32>
      tpu.vector_store %arg18[%swap3A_320], %swap3A_323 {strides = array<i32>} : memref<48xf32, #tpu.memory_space<vmem>>, vector<16xf32>,
      %get3A_324 = arith.constant 8 : index
      %get3A_325 = tpu.vector_load %arg18[%get3A_324] {strides = array<i32>} : memref<48xf32, #tpu.memory_space<vmem>>, vector<16xf32>,
      %get3A_326 = vector.shape_cast %get3A_325 : vector<16xf32> to vector<16xf32>
      %get3A_327 = arith.constant 24 : index
      %get3A_328 = tpu.vector_load %arg18[%get3A_327] {strides = array<i32>} : memref<48xf32, #tpu.memory_space<vmem>>, vector<16xf32>,
      %get3A_329 = vector.shape_cast %get3A_328 : vector<16xf32> to vector<16xf32>
      %select_n3A_330 = arith.select %ne3A_56, %get3A_326, %get3A_329 : vector<16xi1>, vector<16xf32>
      %max3A_331 = arith.maximumf %max3A_319, %select_n3A_330 : vector<16xf32>
      %min3A_332 = arith.minimumf %max3A_319, %select_n3A_330 : vector<16xf32>
      %select_n3A_333 = arith.select %ne3A_56, %max3A_331, %min3A_332 : vector<16xi1>, vector<16xf32>
      %swap3A_334 = arith.constant 16 : index
      %swap3A_335 = tpu.vector_load %arg18[%swap3A_334] {strides = array<i32>} : memref<48xf32, #tpu.memory_space<vmem>>, vector<16xf32>,
      %swap3A_336 = vector.shape_cast %swap3A_335 : vector<16xf32> to vector<16xf32>
      %swap3A_337 = vector.shape_cast %select_n3A_333 : vector<16xf32> to vector<16xf32>
      tpu.vector_store %arg18[%swap3A_334], %swap3A_337 {strides = array<i32>} : memref<48xf32, #tpu.memory_space<vmem>>, vector<16xf32>,
      %get3A_338 = arith.constant 12 : index
      %get3A_339 = tpu.vector_load %arg18[%get3A_338] {strides = array<i32>} : memref<48xf32, #tpu.memory_space<vmem>>, vector<16xf32>,
      %get3A_340 = vector.shape_cast %get3A_339 : vector<16xf32> to vector<16xf32>
      %get3A_341 = arith.constant 20 : index
      %get3A_342 = tpu.vector_load %arg18[%get3A_341] {strides = array<i32>} : memref<48xf32, #tpu.memory_space<vmem>>, vector<16xf32>,
      %get3A_343 = vector.shape_cast %get3A_342 : vector<16xf32> to vector<16xf32>
      %select_n3A_344 = arith.select %ne3A_50, %get3A_340, %get3A_343 : vector<16xi1>, vector<16xf32>
      %max3A_345 = arith.maximumf %select_n3A_333, %select_n3A_344 : vector<16xf32>
      %min3A_346 = arith.minimumf %select_n3A_333, %select_n3A_344 : vector<16xf32>
      %select_n3A_347 = arith.select %ne3A_50, %max3A_345, %min3A_346 : vector<16xi1>, vector<16xf32>
      %swap3A_348 = arith.constant 16 : index
      %swap3A_349 = tpu.vector_load %arg18[%swap3A_348] {strides = array<i32>} : memref<48xf32, #tpu.memory_space<vmem>>, vector<16xf32>,
      %swap3A_350 = vector.shape_cast %swap3A_349 : vector<16xf32> to vector<16xf32>
      %swap3A_351 = vector.shape_cast %select_n3A_347 : vector<16xf32> to vector<16xf32>
      tpu.vector_store %arg18[%swap3A_348], %swap3A_351 {strides = array<i32>} : memref<48xf32, #tpu.memory_space<vmem>>, vector<16xf32>,
      %get3A_352 = arith.constant 14 : index
      %get3A_353 = tpu.vector_load %arg18[%get3A_352] {strides = array<i32>} : memref<48xf32, #tpu.memory_space<vmem>>, vector<16xf32>,
      %get3A_354 = vector.shape_cast %get3A_353 : vector<16xf32> to vector<16xf32>
      %get3A_355 = arith.constant 18 : index
      %get3A_356 = tpu.vector_load %arg18[%get3A_355] {strides = array<i32>} : memref<48xf32, #tpu.memory_space<vmem>>, vector<16xf32>,
      %get3A_357 = vector.shape_cast %get3A_356 : vector<16xf32> to vector<16xf32>
      %select_n3A_358 = arith.select %ne3A_44, %get3A_354, %get3A_357 : vector<16xi1>, vector<16xf32>
      %max3A_359 = arith.maximumf %select_n3A_347, %select_n3A_358 : vector<16xf32>
      %min3A_360 = arith.minimumf %select_n3A_347, %select_n3A_358 : vector<16xf32>
      %select_n3A_361 = arith.select %ne3A_44, %max3A_359, %min3A_360 : vector<16xi1>, vector<16xf32>
      %swap3A_362 = arith.constant 16 : index
      %swap3A_363 = tpu.vector_load %arg18[%swap3A_362] {strides = array<i32>} : memref<48xf32, #tpu.memory_space<vmem>>, vector<16xf32>,
      %swap3A_364 = vector.shape_cast %swap3A_363 : vector<16xf32> to vector<16xf32>
      %swap3A_365 = vector.shape_cast %select_n3A_361 : vector<16xf32> to vector<16xf32>
      tpu.vector_store %arg18[%swap3A_362], %swap3A_365 {strides = array<i32>} : memref<48xf32, #tpu.memory_space<vmem>>, vector<16xf32>,
      %get3A_366 = arith.constant 15 : index
      %get3A_367 = tpu.vector_load %arg18[%get3A_366] {strides = array<i32>} : memref<48xf32, #tpu.memory_space<vmem>>, vector<16xf32>,
      %get3A_368 = vector.shape_cast %get3A_367 : vector<16xf32> to vector<16xf32>
      %get3A_369 = arith.constant 17 : index
      %get3A_370 = tpu.vector_load %arg18[%get3A_369] {strides = array<i32>} : memref<48xf32, #tpu.memory_space<vmem>>, vector<16xf32>,
      %get3A_371 = vector.shape_cast %get3A_370 : vector<16xf32> to vector<16xf32>
      %select_n3A_372 = arith.select %ne3A_38, %get3A_368, %get3A_371 : vector<16xi1>, vector<16xf32>
      %max3A_373 = arith.maximumf %select_n3A_361, %select_n3A_372 : vector<16xf32>
      %min3A_374 = arith.minimumf %select_n3A_361, %select_n3A_372 : vector<16xf32>
      %select_n3A_375 = arith.select %ne3A_38, %max3A_373, %min3A_374 : vector<16xi1>, vector<16xf32>
      %get3A_376 = arith.constant 2 : i32
      %get3A_377 = arith.index_cast %get3A_376 : i32 to index
      %get3A_378 = arith.constant 0 : index
      %get3A_379 = tpu.vector_load %arg13[%get3A_377, %get3A_378] {strides = array<i32>} : memref<4x16xf32, #tpu.memory_space<vmem>>, vector<1x16xf32>,
      %get3A_380 = vector.shape_cast %get3A_379 : vector<1x16xf32> to vector<16xf32>
      %rev3A_381 = arith.constant 15 : i32
      %rev3A_382 = vector.broadcast %rev3A_381 : i32 to vector<16xi32>
      %rev3A_383 = tpu.iota {dimensions = array<i32: 0>} : vector<16xi32>
      %rev3A_384 = arith.subi %rev3A_382, %rev3A_383 : vector<16xi32>
      %rev3A_385 = tpu.dynamic_gather %get3A_380[%rev3A_384] in [0] : vector<16xf32>, vector<16xi32> -> vector<16xf32>
      %min3A_386 = arith.minimumf %select_n3A_308, %rev3A_385 : vector<16xf32>
      %swap3A_387 = arith.constant 16 : index
      %swap3A_388 = tpu.vector_load %arg18[%swap3A_387] {strides = array<i32>} : memref<48xf32, #tpu.memory_space<vmem>>, vector<16xf32>,
      %swap3A_389 = vector.shape_cast %swap3A_388 : vector<16xf32> to vector<16xf32>
      %swap3A_390 = vector.shape_cast %min3A_386 : vector<16xf32> to vector<16xf32>
      tpu.vector_store %arg18[%swap3A_387], %swap3A_390 {strides = array<i32>} : memref<48xf32, #tpu.memory_space<vmem>>, vector<16xf32>,
      %get3A_391 = arith.constant 8 : index
      %get3A_392 = tpu.vector_load %arg18[%get3A_391] {strides = array<i32>} : memref<48xf32, #tpu.memory_space<vmem>>, vector<16xf32>,
      %get3A_393 = vector.shape_cast %get3A_392 : vector<16xf32> to vector<16xf32>
      %get3A_394 = arith.constant 24 : index
      %get3A_395 = tpu.vector_load %arg18[%get3A_394] {strides = array<i32>} : memref<48xf32, #tpu.memory_space<vmem>>, vector<16xf32>,
      %get3A_396 = vector.shape_cast %get3A_395 : vector<16xf32> to vector<16xf32>
      %select_n3A_397 = arith.select %ne3A_56, %get3A_393, %get3A_396 : vector<16xi1>, vector<16xf32>
      %max3A_398 = arith.maximumf %min3A_386, %select_n3A_397 : vector<16xf32>
      %min3A_399 = arith.minimumf %min3A_386, %select_n3A_397 : vector<16xf32>
      %select_n3A_400 = arith.select %ne3A_56, %max3A_398, %min3A_399 : vector<16xi1>, vector<16xf32>
      %swap3A_401 = arith.constant 16 : index
      %swap3A_402 = tpu.vector_load %arg18[%swap3A_401] {strides = array<i32>} : memref<48xf32, #tpu.memory_space<vmem>>, vector<16xf32>,
      %swap3A_403 = vector.shape_cast %swap3A_402 : vector<16xf32> to vector<16xf32>
      %swap3A_404 = vector.shape_cast %select_n3A_400 : vector<16xf32> to vector<16xf32>
      tpu.vector_store %arg18[%swap3A_401], %swap3A_404 {strides = array<i32>} : memref<48xf32, #tpu.memory_space<vmem>>, vector<16xf32>,
      %get3A_405 = arith.constant 12 : index
      %get3A_406 = tpu.vector_load %arg18[%get3A_405] {strides = array<i32>} : memref<48xf32, #tpu.memory_space<vmem>>, vector<16xf32>,
      %get3A_407 = vector.shape_cast %get3A_406 : vector<16xf32> to vector<16xf32>
      %get3A_408 = arith.constant 20 : index
      %get3A_409 = tpu.vector_load %arg18[%get3A_408] {strides = array<i32>} : memref<48xf32, #tpu.memory_space<vmem>>, vector<16xf32>,
      %get3A_410 = vector.shape_cast %get3A_409 : vector<16xf32> to vector<16xf32>
      %select_n3A_411 = arith.select %ne3A_50, %get3A_407, %get3A_410 : vector<16xi1>, vector<16xf32>
      %max3A_412 = arith.maximumf %select_n3A_400, %select_n3A_411 : vector<16xf32>
      %min3A_413 = arith.minimumf %select_n3A_400, %select_n3A_411 : vector<16xf32>
      %select_n3A_414 = arith.select %ne3A_50, %max3A_412, %min3A_413 : vector<16xi1>, vector<16xf32>
      %swap3A_415 = arith.constant 16 : index
      %swap3A_416 = tpu.vector_load %arg18[%swap3A_415] {strides = array<i32>} : memref<48xf32, #tpu.memory_space<vmem>>, vector<16xf32>,
      %swap3A_417 = vector.shape_cast %swap3A_416 : vector<16xf32> to vector<16xf32>
      %swap3A_418 = vector.shape_cast %select_n3A_414 : vector<16xf32> to vector<16xf32>
      tpu.vector_store %arg18[%swap3A_415], %swap3A_418 {strides = array<i32>} : memref<48xf32, #tpu.memory_space<vmem>>, vector<16xf32>,
      %get3A_419 = arith.constant 14 : index
      %get3A_420 = tpu.vector_load %arg18[%get3A_419] {strides = array<i32>} : memref<48xf32, #tpu.memory_space<vmem>>, vector<16xf32>,
      %get3A_421 = vector.shape_cast %get3A_420 : vector<16xf32> to vector<16xf32>
      %get3A_422 = arith.constant 18 : index
      %get3A_423 = tpu.vector_load %arg18[%get3A_422] {strides = array<i32>} : memref<48xf32, #tpu.memory_space<vmem>>, vector<16xf32>,
      %get3A_424 = vector.shape_cast %get3A_423 : vector<16xf32> to vector<16xf32>
      %select_n3A_425 = arith.select %ne3A_44, %get3A_421, %get3A_424 : vector<16xi1>, vector<16xf32>
      %max3A_426 = arith.maximumf %select_n3A_414, %select_n3A_425 : vector<16xf32>
      %min3A_427 = arith.minimumf %select_n3A_414, %select_n3A_425 : vector<16xf32>
      %select_n3A_428 = arith.select %ne3A_44, %max3A_426, %min3A_427 : vector<16xi1>, vector<16xf32>
      %swap3A_429 = arith.constant 16 : index
      %swap3A_430 = tpu.vector_load %arg18[%swap3A_429] {strides = array<i32>} : memref<48xf32, #tpu.memory_space<vmem>>, vector<16xf32>,
      %swap3A_431 = vector.shape_cast %swap3A_430 : vector<16xf32> to vector<16xf32>
      %swap3A_432 = vector.shape_cast %select_n3A_428 : vector<16xf32> to vector<16xf32>
      tpu.vector_store %arg18[%swap3A_429], %swap3A_432 {strides = array<i32>} : memref<48xf32, #tpu.memory_space<vmem>>, vector<16xf32>,
      %get3A_433 = arith.constant 15 : index
      %get3A_434 = tpu.vector_load %arg18[%get3A_433] {strides = array<i32>} : memref<48xf32, #tpu.memory_space<vmem>>, vector<16xf32>,
      %get3A_435 = vector.shape_cast %get3A_434 : vector<16xf32> to vector<16xf32>
      %get3A_436 = arith.constant 17 : index
      %get3A_437 = tpu.vector_load %arg18[%get3A_436] {strides = array<i32>} : memref<48xf32, #tpu.memory_space<vmem>>, vector<16xf32>,
      %get3A_438 = vector.shape_cast %get3A_437 : vector<16xf32> to vector<16xf32>
      %select_n3A_439 = arith.select %ne3A_38, %get3A_435, %get3A_438 : vector<16xi1>, vector<16xf32>
      %max3A_440 = arith.maximumf %select_n3A_428, %select_n3A_439 : vector<16xf32>
      %min3A_441 = arith.minimumf %select_n3A_428, %select_n3A_439 : vector<16xf32>
      %select_n3A_442 = arith.select %ne3A_38, %max3A_440, %min3A_441 : vector<16xi1>, vector<16xf32>
      %get3A_443 = arith.constant 3 : i32
      %get3A_444 = arith.index_cast %get3A_443 : i32 to index
      %get3A_445 = arith.constant 0 : index
      %get3A_446 = tpu.vector_load %arg12[%get3A_444, %get3A_445] {strides = array<i32>} : memref<4x16xf32, #tpu.memory_space<vmem>>, vector<1x16xf32>,
      %get3A_447 = vector.shape_cast %get3A_446 : vector<1x16xf32> to vector<16xf32>
      %rev3A_448 = arith.constant 15 : i32
      %rev3A_449 = vector.broadcast %rev3A_448 : i32 to vector<16xi32>
      %rev3A_450 = tpu.iota {dimensions = array<i32: 0>} : vector<16xi32>
      %rev3A_451 = arith.subi %rev3A_449, %rev3A_450 : vector<16xi32>
      %rev3A_452 = tpu.dynamic_gather %get3A_447[%rev3A_451] in [0] : vector<16xf32>, vector<16xi32> -> vector<16xf32>
      %max3A_453 = arith.maximumf %select_n3A_375, %rev3A_452 : vector<16xf32>
      %swap3A_454 = arith.constant 16 : index
      %swap3A_455 = tpu.vector_load %arg18[%swap3A_454] {strides = array<i32>} : memref<48xf32, #tpu.memory_space<vmem>>, vector<16xf32>,
      %swap3A_456 = vector.shape_cast %swap3A_455 : vector<16xf32> to vector<16xf32>
      %swap3A_457 = vector.shape_cast %max3A_453 : vector<16xf32> to vector<16xf32>
      tpu.vector_store %arg18[%swap3A_454], %swap3A_457 {strides = array<i32>} : memref<48xf32, #tpu.memory_space<vmem>>, vector<16xf32>,
      %get3A_458 = arith.constant 8 : index
      %get3A_459 = tpu.vector_load %arg18[%get3A_458] {strides = array<i32>} : memref<48xf32, #tpu.memory_space<vmem>>, vector<16xf32>,
      %get3A_460 = vector.shape_cast %get3A_459 : vector<16xf32> to vector<16xf32>
      %get3A_461 = arith.constant 24 : index
      %get3A_462 = tpu.vector_load %arg18[%get3A_461] {strides = array<i32>} : memref<48xf32, #tpu.memory_space<vmem>>, vector<16xf32>,
      %get3A_463 = vector.shape_cast %get3A_462 : vector<16xf32> to vector<16xf32>
      %select_n3A_464 = arith.select %ne3A_56, %get3A_460, %get3A_463 : vector<16xi1>, vector<16xf32>
      %max3A_465 = arith.maximumf %max3A_453, %select_n3A_464 : vector<16xf32>
      %min3A_466 = arith.minimumf %max3A_453, %select_n3A_464 : vector<16xf32>
      %select_n3A_467 = arith.select %ne3A_56, %max3A_465, %min3A_466 : vector<16xi1>, vector<16xf32>
      %swap3A_468 = arith.constant 16 : index
      %swap3A_469 = tpu.vector_load %arg18[%swap3A_468] {strides = array<i32>} : memref<48xf32, #tpu.memory_space<vmem>>, vector<16xf32>,
      %swap3A_470 = vector.shape_cast %swap3A_469 : vector<16xf32> to vector<16xf32>
      %swap3A_471 = vector.shape_cast %select_n3A_467 : vector<16xf32> to vector<16xf32>
      tpu.vector_store %arg18[%swap3A_468], %swap3A_471 {strides = array<i32>} : memref<48xf32, #tpu.memory_space<vmem>>, vector<16xf32>,
      %get3A_472 = arith.constant 12 : index
      %get3A_473 = tpu.vector_load %arg18[%get3A_472] {strides = array<i32>} : memref<48xf32, #tpu.memory_space<vmem>>, vector<16xf32>,
      %get3A_474 = vector.shape_cast %get3A_473 : vector<16xf32> to vector<16xf32>
      %get3A_475 = arith.constant 20 : index
      %get3A_476 = tpu.vector_load %arg18[%get3A_475] {strides = array<i32>} : memref<48xf32, #tpu.memory_space<vmem>>, vector<16xf32>,
      %get3A_477 = vector.shape_cast %get3A_476 : vector<16xf32> to vector<16xf32>
      %select_n3A_478 = arith.select %ne3A_50, %get3A_474, %get3A_477 : vector<16xi1>, vector<16xf32>
      %max3A_479 = arith.maximumf %select_n3A_467, %select_n3A_478 : vector<16xf32>
      %min3A_480 = arith.minimumf %select_n3A_467, %select_n3A_478 : vector<16xf32>
      %select_n3A_481 = arith.select %ne3A_50, %max3A_479, %min3A_480 : vector<16xi1>, vector<16xf32>
      %swap3A_482 = arith.constant 16 : index
      %swap3A_483 = tpu.vector_load %arg18[%swap3A_482] {strides = array<i32>} : memref<48xf32, #tpu.memory_space<vmem>>, vector<16xf32>,
      %swap3A_484 = vector.shape_cast %swap3A_483 : vector<16xf32> to vector<16xf32>
      %swap3A_485 = vector.shape_cast %select_n3A_481 : vector<16xf32> to vector<16xf32>
      tpu.vector_store %arg18[%swap3A_482], %swap3A_485 {strides = array<i32>} : memref<48xf32, #tpu.memory_space<vmem>>, vector<16xf32>,
      %get3A_486 = arith.constant 14 : index
      %get3A_487 = tpu.vector_load %arg18[%get3A_486] {strides = array<i32>} : memref<48xf32, #tpu.memory_space<vmem>>, vector<16xf32>,
      %get3A_488 = vector.shape_cast %get3A_487 : vector<16xf32> to vector<16xf32>
      %get3A_489 = arith.constant 18 : index
      %get3A_490 = tpu.vector_load %arg18[%get3A_489] {strides = array<i32>} : memref<48xf32, #tpu.memory_space<vmem>>, vector<16xf32>,
      %get3A_491 = vector.shape_cast %get3A_490 : vector<16xf32> to vector<16xf32>
      %select_n3A_492 = arith.select %ne3A_44, %get3A_488, %get3A_491 : vector<16xi1>, vector<16xf32>
      %max3A_493 = arith.maximumf %select_n3A_481, %select_n3A_492 : vector<16xf32>
      %min3A_494 = arith.minimumf %select_n3A_481, %select_n3A_492 : vector<16xf32>
      %select_n3A_495 = arith.select %ne3A_44, %max3A_493, %min3A_494 : vector<16xi1>, vector<16xf32>
      %swap3A_496 = arith.constant 16 : index
      %swap3A_497 = tpu.vector_load %arg18[%swap3A_496] {strides = array<i32>} : memref<48xf32, #tpu.memory_space<vmem>>, vector<16xf32>,
      %swap3A_498 = vector.shape_cast %swap3A_497 : vector<16xf32> to vector<16xf32>
      %swap3A_499 = vector.shape_cast %select_n3A_495 : vector<16xf32> to vector<16xf32>
      tpu.vector_store %arg18[%swap3A_496], %swap3A_499 {strides = array<i32>} : memref<48xf32, #tpu.memory_space<vmem>>, vector<16xf32>,
      %get3A_500 = arith.constant 15 : index
      %get3A_501 = tpu.vector_load %arg18[%get3A_500] {strides = array<i32>} : memref<48xf32, #tpu.memory_space<vmem>>, vector<16xf32>,
      %get3A_502 = vector.shape_cast %get3A_501 : vector<16xf32> to vector<16xf32>
      %get3A_503 = arith.constant 17 : index
      %get3A_504 = tpu.vector_load %arg18[%get3A_503] {strides = array<i32>} : memref<48xf32, #tpu.memory_space<vmem>>, vector<16xf32>,
      %get3A_505 = vector.shape_cast %get3A_504 : vector<16xf32> to vector<16xf32>
      %select_n3A_506 = arith.select %ne3A_38, %get3A_502, %get3A_505 : vector<16xi1>, vector<16xf32>
      %max3A_507 = arith.maximumf %select_n3A_495, %select_n3A_506 : vector<16xf32>
      %min3A_508 = arith.minimumf %select_n3A_495, %select_n3A_506 : vector<16xf32>
      %select_n3A_509 = arith.select %ne3A_38, %max3A_507, %min3A_508 : vector<16xi1>, vector<16xf32>
      %get3A_510 = arith.constant 3 : i32
      %get3A_511 = arith.index_cast %get3A_510 : i32 to index
      %get3A_512 = arith.constant 0 : index
      %get3A_513 = tpu.vector_load %arg13[%get3A_511, %get3A_512] {strides = array<i32>} : memref<4x16xf32, #tpu.memory_space<vmem>>, vector<1x16xf32>,
      %get3A_514 = vector.shape_cast %get3A_513 : vector<1x16xf32> to vector<16xf32>
      %rev3A_515 = arith.constant 15 : i32
      %rev3A_516 = vector.broadcast %rev3A_515 : i32 to vector<16xi32>
      %rev3A_517 = tpu.iota {dimensions = array<i32: 0>} : vector<16xi32>
      %rev3A_518 = arith.subi %rev3A_516, %rev3A_517 : vector<16xi32>
      %rev3A_519 = tpu.dynamic_gather %get3A_514[%rev3A_518] in [0] : vector<16xf32>, vector<16xi32> -> vector<16xf32>
      %min3A_520 = arith.minimumf %select_n3A_442, %rev3A_519 : vector<16xf32>
      %swap3A_521 = arith.constant 16 : index
      %swap3A_522 = tpu.vector_load %arg18[%swap3A_521] {strides = array<i32>} : memref<48xf32, #tpu.memory_space<vmem>>, vector<16xf32>,
      %swap3A_523 = vector.shape_cast %swap3A_522 : vector<16xf32> to vector<16xf32>
      %swap3A_524 = vector.shape_cast %min3A_520 : vector<16xf32> to vector<16xf32>
      tpu.vector_store %arg18[%swap3A_521], %swap3A_524 {strides = array<i32>} : memref<48xf32, #tpu.memory_space<vmem>>, vector<16xf32>,
      %get3A_525 = arith.constant 8 : index
      %get3A_526 = tpu.vector_load %arg18[%get3A_525] {strides = array<i32>} : memref<48xf32, #tpu.memory_space<vmem>>, vector<16xf32>,
      %get3A_527 = vector.shape_cast %get3A_526 : vector<16xf32> to vector<16xf32>
      %get3A_528 = arith.constant 24 : index
      %get3A_529 = tpu.vector_load %arg18[%get3A_528] {strides = array<i32>} : memref<48xf32, #tpu.memory_space<vmem>>, vector<16xf32>,
      %get3A_530 = vector.shape_cast %get3A_529 : vector<16xf32> to vector<16xf32>
      %select_n3A_531 = arith.select %ne3A_56, %get3A_527, %get3A_530 : vector<16xi1>, vector<16xf32>
      %max3A_532 = arith.maximumf %min3A_520, %select_n3A_531 : vector<16xf32>
      %min3A_533 = arith.minimumf %min3A_520, %select_n3A_531 : vector<16xf32>
      %select_n3A_534 = arith.select %ne3A_56, %max3A_532, %min3A_533 : vector<16xi1>, vector<16xf32>
      %swap3A_535 = arith.constant 16 : index
      %swap3A_536 = tpu.vector_load %arg18[%swap3A_535] {strides = array<i32>} : memref<48xf32, #tpu.memory_space<vmem>>, vector<16xf32>,
      %swap3A_537 = vector.shape_cast %swap3A_536 : vector<16xf32> to vector<16xf32>
      %swap3A_538 = vector.shape_cast %select_n3A_534 : vector<16xf32> to vector<16xf32>
      tpu.vector_store %arg18[%swap3A_535], %swap3A_538 {strides = array<i32>} : memref<48xf32, #tpu.memory_space<vmem>>, vector<16xf32>,
      %get3A_539 = arith.constant 12 : index
      %get3A_540 = tpu.vector_load %arg18[%get3A_539] {strides = array<i32>} : memref<48xf32, #tpu.memory_space<vmem>>, vector<16xf32>,
      %get3A_541 = vector.shape_cast %get3A_540 : vector<16xf32> to vector<16xf32>
      %get3A_542 = arith.constant 20 : index
      %get3A_543 = tpu.vector_load %arg18[%get3A_542] {strides = array<i32>} : memref<48xf32, #tpu.memory_space<vmem>>, vector<16xf32>,
      %get3A_544 = vector.shape_cast %get3A_543 : vector<16xf32> to vector<16xf32>
      %select_n3A_545 = arith.select %ne3A_50, %get3A_541, %get3A_544 : vector<16xi1>, vector<16xf32>
      %max3A_546 = arith.maximumf %select_n3A_534, %select_n3A_545 : vector<16xf32>
      %min3A_547 = arith.minimumf %select_n3A_534, %select_n3A_545 : vector<16xf32>
      %select_n3A_548 = arith.select %ne3A_50, %max3A_546, %min3A_547 : vector<16xi1>, vector<16xf32>
      %swap3A_549 = arith.constant 16 : index
      %swap3A_550 = tpu.vector_load %arg18[%swap3A_549] {strides = array<i32>} : memref<48xf32, #tpu.memory_space<vmem>>, vector<16xf32>,
      %swap3A_551 = vector.shape_cast %swap3A_550 : vector<16xf32> to vector<16xf32>
      %swap3A_552 = vector.shape_cast %select_n3A_548 : vector<16xf32> to vector<16xf32>
      tpu.vector_store %arg18[%swap3A_549], %swap3A_552 {strides = array<i32>} : memref<48xf32, #tpu.memory_space<vmem>>, vector<16xf32>,
      %get3A_553 = arith.constant 14 : index
      %get3A_554 = tpu.vector_load %arg18[%get3A_553] {strides = array<i32>} : memref<48xf32, #tpu.memory_space<vmem>>, vector<16xf32>,
      %get3A_555 = vector.shape_cast %get3A_554 : vector<16xf32> to vector<16xf32>
      %get3A_556 = arith.constant 18 : index
      %get3A_557 = tpu.vector_load %arg18[%get3A_556] {strides = array<i32>} : memref<48xf32, #tpu.memory_space<vmem>>, vector<16xf32>,
      %get3A_558 = vector.shape_cast %get3A_557 : vector<16xf32> to vector<16xf32>
      %select_n3A_559 = arith.select %ne3A_44, %get3A_555, %get3A_558 : vector<16xi1>, vector<16xf32>
      %max3A_560 = arith.maximumf %select_n3A_548, %select_n3A_559 : vector<16xf32>
      %min3A_561 = arith.minimumf %select_n3A_548, %select_n3A_559 : vector<16xf32>
      %select_n3A_562 = arith.select %ne3A_44, %max3A_560, %min3A_561 : vector<16xi1>, vector<16xf32>
      %swap3A_563 = arith.constant 16 : index
      %swap3A_564 = tpu.vector_load %arg18[%swap3A_563] {strides = array<i32>} : memref<48xf32, #tpu.memory_space<vmem>>, vector<16xf32>,
      %swap3A_565 = vector.shape_cast %swap3A_564 : vector<16xf32> to vector<16xf32>
      %swap3A_566 = vector.shape_cast %select_n3A_562 : vector<16xf32> to vector<16xf32>
      tpu.vector_store %arg18[%swap3A_563], %swap3A_566 {strides = array<i32>} : memref<48xf32, #tpu.memory_space<vmem>>, vector<16xf32>,
      %get3A_567 = arith.constant 15 : index
      %get3A_568 = tpu.vector_load %arg18[%get3A_567] {strides = array<i32>} : memref<48xf32, #tpu.memory_space<vmem>>, vector<16xf32>,
      %get3A_569 = vector.shape_cast %get3A_568 : vector<16xf32> to vector<16xf32>
      %get3A_570 = arith.constant 17 : index
      %get3A_571 = tpu.vector_load %arg18[%get3A_570] {strides = array<i32>} : memref<48xf32, #tpu.memory_space<vmem>>, vector<16xf32>,
      %get3A_572 = vector.shape_cast %get3A_571 : vector<16xf32> to vector<16xf32>
      %select_n3A_573 = arith.select %ne3A_38, %get3A_569, %get3A_572 : vector<16xi1>, vector<16xf32>
      %max3A_574 = arith.maximumf %select_n3A_562, %select_n3A_573 : vector<16xf32>
      %min3A_575 = arith.minimumf %select_n3A_562, %select_n3A_573 : vector<16xf32>
      %select_n3A_576 = arith.select %ne3A_38, %max3A_574, %min3A_575 : vector<16xi1>, vector<16xf32>
      %get3A_577 = arith.constant 0 : index
      %get3A_578 = tpu.vector_load %arg14[%get3A_577] {strides = array<i32>} : memref<16xf32, #tpu.memory_space<vmem>>, vector<16xf32>,
      %get3A_579 = vector.shape_cast %get3A_578 : vector<16xf32> to vector<16xf32>
      %mul3A_580 = arith.mulf %select_n3A_509, %get3A_579 : vector<16xf32>
      %get3A_581 = arith.constant 0 : index
      %get3A_582 = tpu.vector_load %arg15[%get3A_581] {strides = array<i32>} : memref<16xf32, #tpu.memory_space<vmem>>, vector<16xf32>,
      %get3A_583 = vector.shape_cast %get3A_582 : vector<16xf32> to vector<16xf32>
      %mul3A_584 = arith.mulf %select_n3A_576, %get3A_583 : vector<16xf32>
      %add3A_585 = arith.addf %mul3A_580, %mul3A_584 : vector<16xf32>
      %get3A_586 = arith.constant 0 : index
      %get3A_587 = tpu.vector_load %arg16[%get3A_586] {strides = array<i32>} : memref<16xf32, #tpu.memory_space<vmem>>, vector<16xf32>,
      %get3A_588 = vector.shape_cast %get3A_587 : vector<16xf32> to vector<16xf32>
      %add3A_589 = arith.addf %add3A_585, %get3A_588 : vector<16xf32>
      %swap3A_590 = arith.constant 0 : index
      %swap3A_591 = tpu.vector_load %arg17[%swap3A_590] {strides = array<i32>} : memref<16xf32, #tpu.memory_space<vmem>>, vector<16xf32>,
      %swap3A_592 = vector.shape_cast %swap3A_591 : vector<16xf32> to vector<16xf32>
      %swap3A_593 = vector.shape_cast %add3A_589 : vector<16xf32> to vector<16xf32>
      tpu.vector_store %arg17[%swap3A_590], %swap3A_593 {strides = array<i32>} : memref<16xf32, #tpu.memory_space<vmem>>, vector<16xf32>,
      "tpu.region"() ({
        %run_scoped3A = tpu.sem_alloc : memref<!tpu.dma_semaphore, #tpu.memory_space<semaphore_mem>>
        %dma_start3A = arith.constant 0 : i32
        %dma_start3A_594 = tpu.memref_slice %arg8[%add3A, %dma_start3A] : memref<8x16xf32, #tpu.memory_space<hbm>> -> memref<1x16xf32, #tpu.memory_space<hbm>>
        %dma_start3A_595 = tpu.memref_squeeze %dma_start3A_594 : memref<1x16xf32, #tpu.memory_space<hbm>> -> memref<16xf32, #tpu.memory_space<hbm>>
        %dma_start3A_596 = arith.constant 0 : i32
        %dma_start3A_597 = tpu.memref_slice %arg8[%add3A, %dma_start3A_596] : memref<8x16xf32, #tpu.memory_space<hbm>> -> memref<1x16xf32, #tpu.memory_space<hbm>>
        %dma_start3A_598 = tpu.memref_squeeze %dma_start3A_597 : memref<1x16xf32, #tpu.memory_space<hbm>> -> memref<16xf32, #tpu.memory_space<hbm>>
        tpu.enqueue_dma source(%arg17 : memref<16xf32, #tpu.memory_space<vmem>>) target(%dma_start3A_598 : memref<16xf32, #tpu.memory_space<hbm>>) target_semaphore(%run_scoped3A : memref<!tpu.dma_semaphore, #tpu.memory_space<semaphore_mem>>)
        %dma_wait3A = arith.constant 0 : i32
        %dma_wait3A_599 = tpu.memref_slice %arg8[%add3A, %dma_wait3A] : memref<8x16xf32, #tpu.memory_space<hbm>> -> memref<1x16xf32, #tpu.memory_space<hbm>>
        %dma_wait3A_600 = tpu.memref_squeeze %dma_wait3A_599 : memref<1x16xf32, #tpu.memory_space<hbm>> -> memref<16xf32, #tpu.memory_space<hbm>>
        %dma_wait3A_601 = arith.constant 0 : i32
        %dma_wait3A_602 = tpu.memref_slice %arg8[%add3A, %dma_wait3A_601] : memref<8x16xf32, #tpu.memory_space<hbm>> -> memref<1x16xf32, #tpu.memory_space<hbm>>
        %dma_wait3A_603 = tpu.memref_squeeze %dma_wait3A_602 : memref<1x16xf32, #tpu.memory_space<hbm>> -> memref<16xf32, #tpu.memory_space<hbm>>
        tpu.wait_dma2 semaphore(%run_scoped3A : memref<!tpu.dma_semaphore, #tpu.memory_space<semaphore_mem>>) src(%arg17 : memref<16xf32, #tpu.memory_space<vmem>>) dst(%dma_wait3A_603 : memref<16xf32, #tpu.memory_space<hbm>>)
        tpu.yield
      }) : () -> ()
    } else {
    }
    return
  }
}

module attributes {stable_mosaic.version = 14 : i64} {
  func.func @_tc_body(%arg0: i32, %arg1: memref<8x128x2048xf32, #tpu.memory_space<vmem>>, %arg2: memref<1x1x2048xf32, #tpu.memory_space<vmem>>, %arg3: memref<1x1xf32, #tpu.memory_space<vmem>>, %arg4: memref<8x128xf32, #tpu.memory_space<vmem>>) attributes {dimension_semantics = [#tpu.dimension_semantics<arbitrary>], iteration_bounds = array<i64: 32>, scalar_prefetch = 0 : i64, scratch_operands = 0 : i64, tpu.core_type = #tpu.core_type<tc>, window_params = [{transform_indices = @transform_0, window_bounds = array<i64: 8, 128, 2048>}, {pipeline_mode = #tpu.pipeline_mode<synchronous>, transform_indices = @transform_1, window_bounds = array<i64: 1, 1, 2048>}, {pipeline_mode = #tpu.pipeline_mode<synchronous>, transform_indices = @transform_2, window_bounds = array<i64: 1, 1>}, {transform_indices = @transform_3, window_bounds = array<i64: 8, 128>}]} {
    %get3A = arith.constant 0 : index
    %get3A_0 = arith.constant 0 : index
    %get3A_1 = arith.constant 0 : index
    %get3A_2 = vector.load %arg1[%get3A, %get3A_0, %get3A_1] : memref<8x128x2048xf32, #tpu.memory_space<vmem>>, vector<8x128x2048xf32>
    %get3A_3 = arith.constant 0 : index
    %get3A_4 = arith.constant 0 : index
    %get3A_5 = arith.constant 0 : index
    %get3A_6 = vector.load %arg2[%get3A_3, %get3A_4, %get3A_5] : memref<1x1x2048xf32, #tpu.memory_space<vmem>>, vector<1x1x2048xf32>
    %mul3A = vector.broadcast %get3A_6 : vector<1x1x2048xf32> to vector<8x128x2048xf32>
    %mul3A_7 = arith.mulf %get3A_2, %mul3A : vector<8x128x2048xf32>
    %reduce_sum3A = arith.constant dense<0.000000e+00> : vector<8x128xf32>
    %reduce_sum3A_8 = vector.multi_reduction <add>, %mul3A_7, %reduce_sum3A [2] : vector<8x128x2048xf32> to vector<8x128xf32>
    %get3A_9 = arith.constant 0 : index
    %get3A_10 = arith.constant 0 : index
    %get3A_11 = vector.load %arg3[%get3A_9, %get3A_10] : memref<1x1xf32, #tpu.memory_space<vmem>>, vector<1x1xf32>
    %get3A_12 = vector.extract %get3A_11[0, 0] : f32 from vector<1x1xf32>
    %add3A = vector.broadcast %get3A_12 : f32 to vector<8x128xf32>
    %add3A_13 = arith.addf %reduce_sum3A_8, %add3A : vector<8x128xf32>
    %swap3A = arith.constant 0 : index
    %swap3A_14 = arith.constant 0 : index
    %swap3A_15 = vector.load %arg4[%swap3A, %swap3A_14] : memref<8x128xf32, #tpu.memory_space<vmem>>, vector<8x128xf32>
    tpu.vector_store %arg4[%swap3A, %swap3A_14], %add3A_13 {strides = array<i32>} : memref<8x128xf32, #tpu.memory_space<vmem>>, vector<8x128xf32>,
    return
  }
  func.func @transform_0(%arg0: i32) -> (i32, i32, i32) {
    %c0_i32 = arith.constant 0 : i32
    %c0_i32_0 = arith.constant 0 : i32
    %c0_i32_1 = arith.constant 0 : i32
    return %c0_i32, %arg0, %c0_i32_0 : i32, i32, i32
  }
  func.func @transform_1(%arg0: i32) -> (i32, i32, i32) {
    %c0_i32 = arith.constant 0 : i32
    %c0_i32_0 = arith.constant 0 : i32
    %c0_i32_1 = arith.constant 0 : i32
    %c0_i32_2 = arith.constant 0 : i32
    return %c0_i32, %c0_i32_0, %c0_i32_1 : i32, i32, i32
  }
  func.func @transform_2(%arg0: i32) -> (i32, i32) {
    %c0_i32 = arith.constant 0 : i32
    %c0_i32_0 = arith.constant 0 : i32
    %c0_i32_1 = arith.constant 0 : i32
    return %c0_i32, %c0_i32_0 : i32, i32
  }
  func.func @transform_3(%arg0: i32) -> (i32, i32) {
    %c0_i32 = arith.constant 0 : i32
    %c0_i32_0 = arith.constant 0 : i32
    return %c0_i32, %arg0 : i32, i32
  }
}

</mosaic_0001>

<sc_bundles>
// kernel: kernel.4.cloned.1.call-start
scs
__scs_entry_jumppad:
0x0: {  	(pc) =	sbr.rel $0x88, $3  }
0x1: {  	(tag) =	ssettag $0x0;
	lr =	simm.s32 $0x1  }
0x2: {  	[smem:$0x3F9C] =	sst lr;
	_ =	strace $0xD0000000  }
0x3: {  	_ = 	snop  }
0x4: {  	_ = 	snop  }
0x5: {  	_ = 	snop  }
0x6: {  	_ = 	snop  }
0x7: {  	_ = 	snop  }
__scs_overlays_trampoline_lowered:
0x8: {  	[smem:$0x3FAB] =	sst s0  }
0x9: {  	[smem:$0x3FAC] =	sst s1  }
0xa: {  	[smem:$0x3FAD] =	sst s2  }
0xb: {  	[smem:$0x3FAE] =	sst s3  }
0xc: {  	[smem:$0x3FAF] =	sst s4  }
0xd: {  	[smem:$0x3FB0] =	sst s5  }
0xe: {  	[smem:$0x3FB1] =	sst s6  }
0xf: {  	[smem:$0x3FB2] =	sst s7  }
0x10: {  	[smem:$0x3FB3] =	sst s8  }
0x11: {  	[smem:$0x3FB4] =	sst s9;
	s0 =	simm.s32 @!p0 $0x0  }
0x12: {  	s1 =	sld [smem:$0x3F9A];
	s0 =	simm.s32 @p0 $0x1  }
0x13: {  	[smem:$0x3FB5] =	sst s0;
	s0 =	simm.s32 @!p1 $0x0  }
0x14: {  	s2 =	sld [smem:$0x3F99];
	s0 =	simm.s32 @p1 $0x1  }
0x15: {  	[smem:$0x3FB6] =	sst s0;
	s0 =	simm.s32 @!p2 $0x0  }
0x16: {  	s3 =	sld [smem:$0x3FDB];
	s0 =	simm.s32 @p2 $0x1  }
0x17: {  	s4 =	simm.s32 $0x1BF5;
	[smem:$0x3FB8] =	sst s0  }
0x18: {  	s0 =	sld [smem:$0x3F9B];
	_ =	swait.ge [sflag:s4], $0x0  }
0x19: {  	s7 =	sld [smem:$0x3F9C]  }
0x1a: {  	s8 =	sadd.s32 $0xFFFFE003, lr  }
0x1b: {  	s9 =	sadd.s32 $0xFFFFFEF7, lr;
	s5 =	simm.s32 $0xFFFFFFFF;
	p2 =	slt.u32 s8, $0xFFFFF086  }
0x1c: {  	p1 =	slt.u32 s9, $0xF7A;
	s5 =	simm.s32 @!p2 $0x0  }
0x1d: {  	s5 =	simm.s32 @p1 $0x1;
	p0 =	seq.s32 s7, s2  }
0x1e: {  	s7 =	smul.u32 @!p0 $0xF7A, s2;
	p2 =	seq.s32 @!p0 s5, $0x0  }
0x1f: {  	s9 =	smul.u32 $0xF7A, s1;
	s8 =	simm.s32 @!p0 $0x1BF5;
	p2 =	por !p2, p0  }
0x20: {  	[sflag:s8] =	ssyncset.s32 @!p0 $0xFFFFF086;
	s6 =	sadd.s32 @!p0 s3, s7;
	s7 =	simm.s32 @!p0 $0x108  }
0x21: {  	s3 =	sadd.s32 s3, s9;
	s6 =	sadd.s32 @!p0 $0x88, s6;
	s7 =	simm.s32 @p2 $0x1082  }
0x22: {  	[simem:s7], [sflag:s8] =	dma.local @!p0 [hbm:s6], $0xF7A  }
0x23: {  	s9 =	sor.u32 $0xD0000000, s2;
	s6 =	simm.s32 $0x108;
	_ =	swait.ge @!p0 [sflag:s8], $0x0  }
0x24: {  	s3 =	sadd.s32 $0x88, s3;
	s6 =	simm.s32 @!p1 $0x1082;
	[sflag:s4] =	ssyncset.s32 $0xFFFFF086  }
0x25: {  	[simem:s6], [sflag:s4] =	dma.local [hbm:s3], $0xF7A  }
0x26: {  	[smem:$0x3F9C] =	sst s1;
	(tag) =	ssettag s2;
	_ =	strace s9  }
0x27: {  	s1 =	sld [smem:$0x3FAC]  }
0x28: {  	s2 =	sld [smem:$0x3FAD]  }
0x29: {  	s4 =	sld [smem:$0x3FAF]  }
0x2a: {  	p0 =	seq.s32 s5, $0x0;
	s5 =	sld [smem:$0x3FB0]  }
0x2b: {  	s6 =	sld [smem:$0x3FB1]  }
0x2c: {  	s7 =	sld [smem:$0x3FB2]  }
0x2d: {  	s3 =	simm.s32 $0x108;
	s8 =	sld [smem:$0x3FB3]  }
0x2e: {  	s3 =	simm.s32 @!p0 $0x1082;
	s9 =	sld [smem:$0x3FB4]  }
0x2f: {  	lr =	sadd.s32 s0, s3;
	s0 =	sld [smem:$0x3FAB]  }
0x30: {  	s3 =	sld [smem:$0x3FAE]  }
0x31: {  	[smem:$0x3FB7] =	sst s10  }
0x32: {  	s10 =	sld [smem:$0x3FB5];
	_ =	sdelay $0x3  }
0x33: {  	p0 =	seq.s32 s10, $0x1;
	s10 =	sld [smem:$0x3FB7];
	_ =	sdelay $0x3  }
0x34: {  	[smem:$0x3FB7] =	sst s10  }
0x35: {  	s10 =	sld [smem:$0x3FB6];
	_ =	sdelay $0x3  }
0x36: {  	p1 =	seq.s32 s10, $0x1;
	s10 =	sld [smem:$0x3FB7];
	_ =	sdelay $0x3  }
0x37: {  	[smem:$0x3FB7] =	sst s10  }
0x38: {  	s10 =	sld [smem:$0x3FB8]  }
0x39: {  	_ = 	snop;
	(pc) =	sbr.ind lr, $3  }
0x3a: {  	_ = 	snop  }
0x3b: {  	_ = 	snop  }
0x3c: {  	p2 =	seq.s32 s10, $0x1;
	s10 =	sld [smem:$0x3FB7]  }
0x3d: {  	_ =	shalt  }
0x3e: {  	_ =	shalt  }
0x3f: {  	_ =	shalt  }
0x40: {  	_ =	shalt  }
0x41: {  	_ =	shalt  }
0x42: {  	_ =	shalt  }
0x43: {  	_ =	shalt  }
0x44: {  	_ =	shalt  }
0x45: {  	_ =	shalt  }
0x46: {  	_ =	shalt  }
0x47: {  	_ =	shalt  }
0x48: {  	_ =	shalt  }
0x49: {  	_ =	shalt  }
0x4a: {  	_ =	shalt  }
0x4b: {  	_ =	shalt  }
0x4c: {  	_ =	shalt  }
0x4d: {  	_ =	shalt  }
0x4e: {  	_ =	shalt  }
0x4f: {  	_ =	shalt  }
0x50: {  	_ =	shalt  }
0x51: {  	_ =	shalt  }
0x52: {  	_ =	shalt  }
0x53: {  	_ =	shalt  }
0x54: {  	_ =	shalt  }
0x55: {  	_ =	shalt  }
0x56: {  	_ =	shalt  }
0x57: {  	_ =	shalt  }
0x58: {  	_ =	shalt  }
0x59: {  	_ =	shalt  }
0x5a: {  	_ =	shalt  }
0x5b: {  	_ =	shalt  }
0x5c: {  	_ =	shalt  }
0x5d: {  	_ =	shalt  }
0x5e: {  	_ =	shalt  }
0x5f: {  	_ =	shalt  }
0x60: {  	_ =	shalt  }
0x61: {  	_ =	shalt  }
0x62: {  	_ =	shalt  }
0x63: {  	_ =	shalt  }
0x64: {  	_ =	shalt  }
0x65: {  	_ =	shalt  }
0x66: {  	_ =	shalt  }
0x67: {  	_ =	shalt  }
0x68: {  	_ =	shalt  }
0x69: {  	_ =	shalt  }
0x6a: {  	_ =	shalt  }
0x6b: {  	_ =	shalt  }
0x6c: {  	_ =	shalt  }
0x6d: {  	_ =	shalt  }
0x6e: {  	_ =	shalt  }
0x6f: {  	_ =	shalt  }
0x70: {  	_ =	shalt  }
0x71: {  	_ =	shalt  }
0x72: {  	_ =	shalt  }
0x73: {  	_ =	shalt  }
0x74: {  	_ =	shalt  }
0x75: {  	_ =	shalt  }
0x76: {  	_ =	shalt  }
0x77: {  	_ =	shalt  }
0x78: {  	_ =	shalt  }
0x79: {  	_ =	shalt  }
0x7a: {  	_ =	shalt  }
0x7b: {  	_ =	shalt  }
0x7c: {  	_ =	shalt  }
0x7d: {  	_ =	shalt  }
0x7e: {  	_ =	shalt  }
0x7f: {  	_ =	shalt  }
0x80: {  	_ =	shalt  }
0x81: {  	_ =	shalt  }
0x82: {  	_ =	shalt  }
0x83: {  	_ =	shalt  }
0x84: {  	_ =	shalt  }
0x85: {  	_ =	shalt  }
0x86: {  	_ =	shalt  }
0x87: {  	_ =	shalt  }
.Lfunc_end0:
.L_simem_size_0:
called_computation_lowered:
.L_overlay_start_0:
0x88: {  	s2 =	sld [smem:$0x3FD9]  }
0x89: {  	s3 =	sld [smem:$0x3FFE];
	_ =	sdelay $0x1  }
0x8a: {  	s1 =	srdreg.scid  }
0x8b: {  	s0 =	sand.u32 $0x1, s1  }
0x8c: {  	s14 =	sshll.u32 s0, $0xA;
	s2 =	sadd.s32 s3, s2  }
0x8d: {  	s2 =	sadd.s32 s2, s14  }
0x8e: {  	[smem:$0x3FC3] =	sst s2  }
0x8f: {  	_ = 	snop  }
0x90: {  	s2 =	sld [smem:$0x3FD0];
	_ =	sdelay $0x2  }
0x91: {  	s15 =	simm.s32 $0xA;
	s4 =	simm.s32 $0x10  }
0x92: {  	[smem:s4], [sflag:s15] =	dma.local [hbm:s2], $0x1  }
0x93: {  	_ =	swait.eq [sflag:s15], $0x1  }
0x94: {  	[sflag:s15] =	ssyncset.done $0x0  }
0x95: {  	s16 =	sld [smem:$0x10];
	[sflag:s15] =	ssyncadd.s32 $0xFFFFFFFF  }
0x96: {  	s17 =	sld [smem:$0x11];
	(tm) =	ssettm $0x1  }
0x97: {  	s18 =	sld [smem:$0x3FFB];
	_ =	sdelay $0x3  }
0x98: {  	_ =	strace s18  }
0x99: {  	s4 =	sld [smem:$0x3FFC];
	_ =	sdelay $0x3  }
0x9a: {  	_ =	strace s4  }
0x9b: {  	s4 =	sld [smem:$0x3FFD];
	_ =	sdelay $0x3  }
0x9c: {  	_ =	strace s4  }
0x9d: {  	_ =	strace $0x8FFFFFFF  }
0x9e: {  	s19 =	sld [smem:$0x3FDB];
	_ =	sdelay $0x1  }
0x9f: {  	s5 =	simm.s32 $_scs_section_size  }
0xa0: {  	s6 =	simm.s32 $_size__tile_overlayer_lowered;
	s7 =	simm.s32 $_tile_overlayer_lowered  }
0xa1: {  	s22 =	simm.s32 $0x1BFF;
	s21 =	sshll.u32 s7, $0x1;
	s4 =	sadd.s32 s5, s19  }
0xa2: {  	s8 =	simm.s32 $0x0;
	s20 =	sshll.u32 s6, $0x1;
	s6 =	sadd.s32 s21, s4  }
0xa3: {  	[timem:s8], [sflag:s22] =	dma.local [hbm:s6], s20  }
0xa4: {  	_ =	swait.ge [sflag:s22], s20  }
0xa5: {  	s5 =	ssub.s32 $0x0, s20;
	[sflag:s22] =	ssyncset.done $0x0  }
0xa6: {  	[sflag:s22] =	ssyncadd.s32 s5;
	_ =	sdelay $0x1  }
0xa7: {  	s23 =	simm.s32 $0x1B8B  }
0xa8: {  	_ =	swait.ge [sflag:s23], $0x1  }
0xa9: {  	[sflag:s23] =	ssyncset.done $0x0  }
0xaa: {  	s25 =	simm.s32 $0x1B8E;
	s24 =	sld [smem:$0x3FFE];
	[sflag:s23] =	ssyncadd.s32 $0xFFFFFFFF  }
0xab: {  	s26 =	simm.s32 $execute0_lowered;
	[smem:$0x3FD2] =	sst s25  }
0xac: {  	s6 =	sshll.u32 s26, $0x1;
	_ =	strace $0x80000046;
	[dreg:$0x1] =	wrdreg $0xFFFFFFFF  }
0xad: {  	s28 =	simm.s32 $_size_execute0_lowered;
	s4 =	sadd.s32 s4, s6;
	[dreg:$0x0] =	wrdreg $0x0  }
0xae: {  	s6 =	sshll.u32 s28, $0x1;
	[dreg:$0x2] =	wrdreg s4  }
0xaf: {  	[dreg:$0x3] =	wrdreg s6  }
0xb0: {  	[dreg:$0x4] =	wrdreg $0xC0  }
0xb1: {  	_ =	task [dreg:s8], $0x5FFFF  }
0xb2: {  	[dreg:$0x1] =	wrdreg $0xFFFFFFFF  }
0xb3: {  	[dreg:$0x0] =	wrdreg $0x60  }
0xb4: {  	[dreg:$0x2] =	wrdreg s17  }
0xb5: {  	[dreg:$0x3] =	wrdreg s24  }
0xb6: {  	[dreg:$0x4] =	wrdreg s16  }
0xb7: {  	[dreg:$0x5] =	wrdreg $0x9  }
0xb8: {  	_ =	task.clear_ibuf [dreg:s8], $0x6FFFF;
	_ =	strace $0x90000046  }
0xb9: {  	s29 =	simm.s32 $0x9;
	_ =	strace $0x80000048  }
0xba: {  	_ =	swait.ge [sflag:s29], $0x1  }
0xbb: {  	[sflag:s29] =	ssyncadd.s32 $0xFFFFFFFF  }
0xbc: {  	_ =	strace $0x90000048  }
0xbd: {  	_ =	sfence  }
0xbe: {  	s30 =	sld [smem:$0x0];
	_ =	sdelay $0x2  }
0xbf: {  	s31 =	sshll.u32 s1, $0xD;
	s1 =	sshrl.u32 s1, $0x2  }
0xc0: {  	s3 =	sand.u32 $0x4000, s31;
	s1 =	sadd.s32 s1, s30  }
0xc1: {  	s0 =	sor.u32 s3, s0;
	s1 =	sshll.u32 s1, $0x11  }
0xc2: {  	s0 =	sor.u32 s1, s0  }
0xc3: {  	s0 =	sadd.s32 $0x8F2B, s0  }
0xc4: {  	[sflag:s0] =	ssyncadd.remote.s32 $0x1  }
0xc5: {  	_ =	sfence.sel $0xFFFF  }
0xc6: {  	[dreg:$0x0] =	wrdreg $0xFFFFFFFF;
	(pc) =	sbr.abs _section_cstart, $3  }
0xc7: {  	[dreg:$0x1] =	wrdreg $0xFFFFFFFF  }
0xc8: {  	_ =	task.clear_ibuf [dreg:s8], $0x2FFFF;
	_ =	strace $0x9FFFFFFF  }
0xc9: {  	(tm) =	ssettm $0x7FFFFFFF  }
tec
execute0_lowered:
.L_overlay_start_1:
0x0: {  	(tag) =	ssettag $0x1  }
0x1: {  	vm1 =	vcmask $0xB08  }
0x2: {  	vm0 =	vcmask $0x300;
	vm7 =	vcmask $0x1310;
	vm6 =	vcmask $0x1B18  }
0x3: {  	s6 =	rddreg [dreg:$0x0];
	vm2 =	vcmask $0x2320;
	vm3 =	vcmask $0x2B28;
	vm4 =	vcmask $0x130C  }
0x4: {  	s7 =	rddreg [dreg:$0x1];
	vm5 =	vcmask $0x33C;
	v0 =	vimm.f32 $0.0e+00;
	vm8 =	vcmask $0x1710  }
0x5: {  	s1 =	rddreg [dreg:$0x2];
	vm9 =	vcmask $0x700;
	vm10 =	vcmask $0x332C;
	vm12 =	vcmask $0x2720  }
0x6: {  	s0 =	rddreg [dreg:$0x3];
	s2 =	simm.s32 $0x0;
	s5 =	srdreg.scid;
	vm13 =	vcmask $0xF00;
	v1 =	vlaneseq.u32;
	vm0 =	vmor vm0, vm1  }
0x7: {  	s3 =	stileid.u32;
	s17 =	simm.s32 $0x500;
	s18 =	simm.s32 $0x700;
	vm11 =	vmor vm9, vm8;
	vm9 =	vmor vm5, vm1;
	vm0 =	vmor vm0, vm7  }
0x8: {  	s19 =	simm.s32 $0x900;
	s20 =	simm.s32 $0x980;
	s21 =	simm.s32 $0xA00;
	vm1 =	vcmask $0x1714;
	vm7 =	vmor vm9, vm7;
	vm0 =	vmor vm0, vm6  }
0x9: {  	s22 =	simm.s32 $0xA80;
	s23 =	simm.s32 $0x0;
	[smem:$0x7FF] =	sst s2;
	v1 =	vmul.u32 $0xFFFFFFFF, v1;
	vm6 =	vmor vm7, vm6;
	vm0 =	vmor vm0, vm2  }
0xa: {  	s4 =	sadd.s32 $0x1000, s7;
	s8 =	sand.u32 $0x1, s5;
	s5 =	sadd.s32 $0xE00, s7;
	vm7 =	vcmask $0x2724;
	vm2 =	vcmask $0x3330;
	vm0 =	vmor vm0, vm3  }
0xb: {  	s10 =	sshrl.u32 s3, $0x2;
	s11 =	sadd.s32 $0x1200, s7;
	s12 =	sadd.s32 $0x1400, s7;
	v1 =	vadd.s32 $0xF, v1;
	vm0 =	vmor vm0, vm2;
	vm2 =	vcmask $0x3B38  }
0xc: {  	s16 =	sand.u32 $0x3, s3;
	_ =	strace $0x80000047;
	s9 =	sshll.u32 s8, $0x2;
	vm0 =	vmor vm0, vm2;
	vm2 =	vmor vm5, vm4;
	vm4 =	vcmask $0x231C  }
0xd: {  	s8 =	ssub.s32 $0x2, s8;
	s14 =	sshll.u32 s16, $0xA;
	s30 =	sshll.u32 s16, $0x4;
	vm5 =	vmor vm11, vm12;
	vm11 =	vcmask $0x3730;
	vm12 =	vmor vm9, vm1  }
0xe: {  	p0 =	sne.s32 s16, $0x0;
	s16 =	simm.s32 $0x480;
	s9 =	sor.u32 s10, s9;
	vm9 =	vmor vm6, vm7;
	vm6 =	vcmask $0xF30;
	vm2 =	vmor vm2, vm4  }
0xf: {  	s28 =	sshrl.u32 s8, $0x1;
	s6 =	sadd.s32 s6, s14;
	s14 =	simm.s32 $0x400;
	vm4 =	vmor vm12, vm4;
	vm12 =	vcmask $0x2F20;
	vm1 =	vmor vm2, vm10  }
.Ltmp0:
0x10: {  	s10 =	sshll.u32 s9, $0x4;
	s29 =	sshll.u32 s9, $0x6;
	vm2 =	vmor vm5, vm11;
	vm5 =	vcmask $0x2718;
	vm11 =	vcmask $0x738;
	(pc) =	sbr.rel .LBB2_1-.Ltmp0, $4  }
0x11: {  	s15 =	ssub.s32 s8, s28;
	s13 =	sadd.s32 s10, s7;
	s6 =	sadd.s32 s10, s6;
	vm4 =	vmor vm4, vm3;
	vm3 =	vmor vm11, vm5;
	vm5 =	vmor vm13, vm12  }
0x12: {  	s31 =	sor.u32 s30, s29;
	s9 =	sadd.s32 s11, s29;
	s10 =	sadd.s32 s12, s29;
	vm8 =	vmor vm11, vm8;
	vm11 =	vcmask $0x2F28;
	vm12 =	vcmask $0x2F2C  }
0x13: {  	s7 =	sadd.s32 s11, s31;
	s8 =	sadd.s32 s12, s31;
	s11 =	sadd.s32 $0x1600, s13;
	vm10 =	vcmask $0x3734;
	vm7 =	vmor vm8, vm11;
	vm8 =	vmor vm9, vm12  }
0x14: {  	s12 =	smax.u32 s15, $0x1;
	s13 =	simm.s32 $0x80;
	s15 =	simm.s32 $0x1;
	vm4 =	vmor vm4, vm10;
	vm9 =	vmmov $0xff;
	vm8 =	vmor vm8, vm10  }
.LBB2_5:
0x15: {  	s23 =	sadd.s32 $0x1, s23  }
0x16: {  	p1 =	sne.s32 s23, s12  }
.Ltmp1:
0x17: {  	_ = 	snop;
	(pc) =	sbr.rel @!p1 .LBB2_6-.Ltmp1, $1  }
0x18: {  	_ =	sdelay $0x3  }
.LBB2_1:
0x19: {  	[tilespmem:s2], [sflag:$0x1] =	stream.strided.gather [hbm4b:s6+s13], $0x400, s14, s13, $0x38;
	[tilespmem:$0xE00] =	vst v63  }
0x1a: {  	_ =	swait.ge [sflag:s15], $0x400  }
0x1b: {  	[sflag:s15] =	ssyncset.done $0x0  }
0x1c: {  	[sflag:s15] =	ssyncadd.s32 $0xFFFFFC00  }
0x1d: {  	[tilespmem:$0xB00] =	vst v0  }
0x1e: {  	[tilespmem:$0xB20] =	vst v0  }
0x1f: {  	[tilespmem:$0xB80] =	vst v0  }
0x20: {  	[tilespmem:$0xBA0] =	vst v0  }
0x21: {  	[tilespmem:$0xC00] =	vst v0  }
0x22: {  	[tilespmem:$0xC20] =	vst v0  }
0x23: {  	[tilespmem:$0xC80] =	vst v0  }
0x24: {  	[tilespmem:$0xCA0] =	vst v0  }
0x25: {  	[tilespmem:$0xD00] =	vst v0  }
0x26: {  	[tilespmem:$0xD20] =	vst v0  }
0x27: {  	[tilespmem:$0xD80] =	vst v0  }
0x28: {  	s24 =	simm.s32 $0x0;
	[tilespmem:$0xDA0] =	vst v0  }
0x29: {  	v2 =	vld [tilespmem:s24+$0x0];
	_ =	sdelay $0x4  }
0x2a: {  	[tilespmem:$0xB10] =	vst v2  }
0x2b: {  	v3 =	vld [tilespmem:$0xB11]  }
0x2c: {  	v4 =	vld [tilespmem:$0xB0F];
	_ =	sdelay $0x4  }
0x2d: {  	v3 =	vsel vm0, v3, v4  }
0x2e: {  	v4 =	vmax.f32 v2, v3;
	v2 =	vmin.f32 v2, v3  }
0x2f: {  	v2 =	vsel vm1, v2, v4  }
0x30: {  	[tilespmem:$0xB10] =	vst v2  }
0x31: {  	v3 =	vld [tilespmem:$0xB0E]  }
0x32: {  	v4 =	vld [tilespmem:$0xB12];
	_ =	sdelay $0x4  }
0x33: {  	v3 =	vsel vm2, v4, v3  }
0x34: {  	v4 =	vmax.f32 v2, v3;
	v2 =	vmin.f32 v2, v3  }
0x35: {  	v2 =	vsel vm3, v2, v4  }
0x36: {  	[tilespmem:$0xB10] =	vst v2  }
0x37: {  	v3 =	vld [tilespmem:$0xB0F]  }
0x38: {  	v4 =	vld [tilespmem:$0xB11];
	_ =	sdelay $0x4  }
0x39: {  	v3 =	vsel vm0, v4, v3  }
0x3a: {  	v4 =	vmax.f32 v2, v3;
	v2 =	vmin.f32 v2, v3  }
0x3b: {  	v2 =	vsel vm4, v2, v4  }
0x3c: {  	[tilespmem:$0xB10] =	vst v2  }
0x3d: {  	v3 =	vld [tilespmem:$0xB0C]  }
0x3e: {  	v4 =	vld [tilespmem:$0xB14];
	_ =	sdelay $0x4  }
0x3f: {  	v3 =	vsel vm5, v4, v3  }
0x40: {  	v4 =	vmax.f32 v2, v3;
	v2 =	vmin.f32 v2, v3  }
0x41: {  	v2 =	vsel vm6, v2, v4  }
0x42: {  	[tilespmem:$0xB10] =	vst v2  }
0x43: {  	v3 =	vld [tilespmem:$0xB0E]  }
0x44: {  	v4 =	vld [tilespmem:$0xB12];
	_ =	sdelay $0x4  }
0x45: {  	v3 =	vsel vm2, v4, v3  }
0x46: {  	v4 =	vmax.f32 v2, v3;
	v2 =	vmin.f32 v2, v3  }
0x47: {  	v2 =	vsel vm7, v2, v4  }
0x48: {  	[tilespmem:$0xB10] =	vst v2  }
0x49: {  	v3 =	vld [tilespmem:$0xB0F]  }
0x4a: {  	v4 =	vld [tilespmem:$0xB11];
	_ =	sdelay $0x4  }
0x4b: {  	v3 =	vsel vm0, v4, v3  }
0x4c: {  	v4 =	vmax.f32 v2, v3;
	v2 =	vmin.f32 v2, v3  }
0x4d: {  	v2 =	vsel vm8, v2, v4  }
0x4e: {  	[tilespmem:$0xB10] =	vst v2  }
0x4f: {  	v3 =	vld [tilespmem:$0xB08]  }
0x50: {  	v4 =	vld [tilespmem:$0xB18];
	_ =	sdelay $0x4  }
0x51: {  	v3 =	vsel vm9, v4, v3  }
0x52: {  	v4 =	vmax.f32 v2, v3;
	v2 =	vmin.f32 v2, v3  }
0x53: {  	v2 =	vsel vm9, v2, v4  }
0x54: {  	[tilespmem:$0xB10] =	vst v2  }
0x55: {  	v3 =	vld [tilespmem:$0xB0C]  }
0x56: {  	v4 =	vld [tilespmem:$0xB14];
	_ =	sdelay $0x4  }
0x57: {  	v3 =	vsel vm5, v4, v3  }
0x58: {  	v4 =	vmax.f32 v2, v3;
	v2 =	vmin.f32 v2, v3  }
0x59: {  	v2 =	vsel vm5, v2, v4  }
0x5a: {  	[tilespmem:$0xB10] =	vst v2  }
0x5b: {  	v3 =	vld [tilespmem:$0xB0E]  }
0x5c: {  	v4 =	vld [tilespmem:$0xB12];
	_ =	sdelay $0x4  }
0x5d: {  	v3 =	vsel vm2, v4, v3  }
0x5e: {  	v4 =	vmax.f32 v2, v3;
	v2 =	vmin.f32 v2, v3  }
0x5f: {  	v2 =	vsel vm2, v2, v4  }
0x60: {  	[tilespmem:$0xB10] =	vst v2  }
0x61: {  	v3 =	vld [tilespmem:s24+$0x10];
	_ =	sdelay $0x4  }
0x62: {  	[tilespmem:$0xB90] =	vst v3  }
0x63: {  	v4 =	vld [tilespmem:$0xB8F]  }
0x64: {  	v5 =	vld [tilespmem:$0xB91];
	_ =	sdelay $0x4  }
0x65: {  	v4 =	vsel vm0, v5, v4  }
0x66: {  	v5 =	vmax.f32 v3, v4;
	v3 =	vmin.f32 v3, v4  }
0x67: {  	v3 =	vsel vm1, v3, v5  }
0x68: {  	[tilespmem:$0xB90] =	vst v3  }
0x69: {  	v4 =	vld [tilespmem:$0xB8E]  }
0x6a: {  	v5 =	vld [tilespmem:$0xB92];
	_ =	sdelay $0x4  }
0x6b: {  	v4 =	vsel vm2, v5, v4  }
0x6c: {  	v5 =	vmax.f32 v3, v4;
	v3 =	vmin.f32 v3, v4  }
0x6d: {  	v3 =	vsel vm3, v3, v5  }
0x6e: {  	[tilespmem:$0xB90] =	vst v3  }
0x6f: {  	v4 =	vld [tilespmem:$0xB8F]  }
0x70: {  	v5 =	vld [tilespmem:$0xB91];
	_ =	sdelay $0x4  }
0x71: {  	v4 =	vsel vm0, v5, v4  }
0x72: {  	v5 =	vmax.f32 v3, v4;
	v3 =	vmin.f32 v3, v4  }
0x73: {  	v3 =	vsel vm4, v3, v5  }
0x74: {  	[tilespmem:$0xB90] =	vst v3  }
0x75: {  	v4 =	vld [tilespmem:$0xB8C]  }
0x76: {  	v5 =	vld [tilespmem:$0xB94];
	_ =	sdelay $0x3  }
0x77: {  	v6 =	vld [tilespmem:$0xB0F]  }
0x78: {  	v7 =	vld [tilespmem:$0xB11];
	v4 =	vsel vm5, v5, v4  }
0x79: {  	v5 =	vmax.f32 v3, v4;
	v3 =	vmin.f32 v3, v4  }
0x7a: {  	v3 =	vsel vm6, v3, v5  }
0x7b: {  	[tilespmem:$0xB90] =	vst v3  }
0x7c: {  	v4 =	vld [tilespmem:$0xB8E]  }
0x7d: {  	v5 =	vsel vm0, v7, v6;
	v6 =	vld [tilespmem:$0xB92]  }
0x7e: {  	v7 =	vmax.f32 v2, v5;
	v2 =	vmin.f32 v2, v5  }
0x7f: {  	v2 =	vsel vm0, v2, v7  }
0x80: {  	v2 =	vperm.xlane v2, v1  }
0x81: {  	v5 =	vimm.f32 $-3.000000010e+38  }
0x82: {  	v5 =	vmax.f32 v5, v2;
	v4 =	vsel vm2, v6, v4  }
0x83: {  	[tilespmem:$0xC10] =	vst v5;
	v6 =	vmax.f32 v3, v4;
	v3 =	vmin.f32 v3, v4  }
0x84: {  	v7 =	vld [tilespmem:$0xC18];
	v3 =	vsel vm7, v3, v6  }
0x85: {  	v4 =	vld [tilespmem:$0xC08];
	v6 =	vimm.f32 $3.000000010e+38;
	[tilespmem:$0xB90] =	vst v3  }
0x86: {  	v2 =	vmin.f32 v6, v2;
	v6 =	vld [tilespmem:$0xB8F]  }
0x87: {  	[tilespmem:$0xC90] =	vst v2;
	v8 =	vld [tilespmem:$0xB91]  }
0x88: {  	v9 =	vld [tilespmem:$0xC88]  }
0x89: {  	v10 =	vld [tilespmem:$0xC98]  }
0x8a: {  	v4 =	vsel vm9, v7, v4  }
0x8b: {  	v7 =	vmax.f32 v5, v4;
	v4 =	vmin.f32 v5, v4  }
0x8c: {  	v4 =	vsel vm9, v4, v7;
	v5 =	vsel vm0, v8, v6  }
0x8d: {  	[tilespmem:$0xC10] =	vst v4;
	v6 =	vmax.f32 v3, v5;
	v3 =	vmin.f32 v3, v5  }
0x8e: {  	v5 =	vsel vm9, v10, v9;
	v7 =	vld [tilespmem:$0xC14];
	v3 =	vsel vm8, v3, v6  }
0x8f: {  	v6 =	vmin.f32 v2, v5;
	v2 =	vmax.f32 v2, v5;
	v5 =	vld [tilespmem:$0xC0C];
	[tilespmem:$0xB90] =	vst v3  }
0x90: {  	v2 =	vsel vm9, v6, v2;
	v6 =	vld [tilespmem:$0xB88]  }
0x91: {  	[tilespmem:$0xC90] =	vst v2;
	v8 =	vld [tilespmem:$0xB98]  }
0x92: {  	v58 =	vld [tilespmem:$0xC94]  }
0x93: {  	v59 =	vld [tilespmem:$0xC8C]  }
0x94: {  	v5 =	vsel vm5, v7, v5  }
0x95: {  	v7 =	vmax.f32 v4, v5;
	v4 =	vmin.f32 v4, v5  }
0x96: {  	v4 =	vsel vm5, v4, v7;
	v5 =	vsel vm9, v8, v6  }
0x97: {  	[tilespmem:$0xC10] =	vst v4;
	v6 =	vmax.f32 v3, v5;
	v3 =	vmin.f32 v3, v5  }
0x98: {  	v5 =	vsel vm5, v58, v59;
	v7 =	vld [tilespmem:$0xC0E];
	v3 =	vsel vm9, v3, v6  }
0x99: {  	v6 =	vmax.f32 v2, v5;
	v2 =	vmin.f32 v2, v5;
	v5 =	vld [tilespmem:$0xC12];
	[tilespmem:$0xB90] =	vst v3  }
0x9a: {  	v2 =	vsel vm5, v2, v6;
	v6 =	vld [tilespmem:$0xB8C]  }
0x9b: {  	[tilespmem:$0xC90] =	vst v2;
	v8 =	vld [tilespmem:$0xB94]  }
0x9c: {  	v60 =	vld [tilespmem:$0xC8E]  }
0x9d: {  	v61 =	vld [tilespmem:$0xC92];
	_ =	sdelay $0x1  }
0x9e: {  	v5 =	vsel vm2, v5, v7  }
0x9f: {  	v7 =	vmax.f32 v4, v5;
	v4 =	vmin.f32 v4, v5;
	v5 =	vsel vm5, v8, v6  }
0xa0: {  	v6 =	vsel vm2, v4, v7;
	v4 =	vmax.f32 v3, v5;
	v3 =	vmin.f32 v3, v5  }
0xa1: {  	v5 =	vsel vm2, v61, v60;
	[tilespmem:$0xC10] =	vst v6;
	v3 =	vsel vm5, v3, v4  }
0xa2: {  	v4 =	vmax.f32 v2, v5;
	v2 =	vmin.f32 v2, v5;
	v5 =	vld [tilespmem:$0xC0F];
	[tilespmem:$0xB90] =	vst v3  }
0xa3: {  	v2 =	vsel vm2, v2, v4;
	v4 =	vld [tilespmem:$0xB8E]  }
0xa4: {  	[tilespmem:$0xC90] =	vst v2;
	v7 =	vld [tilespmem:$0xB92]  }
0xa5: {  	v8 =	vld [tilespmem:$0xC8F]  }
0xa6: {  	v62 =	vld [tilespmem:$0xC91]  }
0xa7: {  	v63 =	vld [tilespmem:$0xC11];
	_ =	sdelay $0x1  }
0xa8: {  	v4 =	vsel vm2, v7, v4  }
0xa9: {  	v7 =	vmax.f32 v3, v4;
	v3 =	vmin.f32 v3, v4  }
0xaa: {  	v8 =	vsel vm0, v62, v8;
	v4 =	vsel vm2, v3, v7  }
0xab: {  	v3 =	vsel vm0, v63, v5;
	v7 =	vmax.f32 v2, v8;
	[tilespmem:$0xB90] =	vst v4  }
0xac: {  	v2 =	vmin.f32 v2, v8;
	v8 =	vmax.f32 v6, v3;
	v3 =	vmin.f32 v6, v3;
	v5 =	vld [tilespmem:$0xB8F]  }
0xad: {  	s24 =	simm.s32 $0x80;
	v2 =	vsel vm0, v2, v7;
	v3 =	vsel vm0, v3, v8;
	v6 =	vld [tilespmem:$0xB91]  }
.LBB2_2:
0xae: {  	_ =	sdelay $0x1  }
0xaf: {  	p1 =	sne.s32 s24, $0xF80;
	s25 =	smov.u32 s24;
	s24 =	sadd.s32 $0x80, s24  }
0xb0: {  	_ = 	snop  }
0xb1: {  	v5 =	vsel vm0, v6, v5  }
0xb2: {  	v6 =	vmax.f32 v4, v5;
	v4 =	vmin.f32 v4, v5  }
0xb3: {  	v4 =	vsel vm0, v4, v6  }
0xb4: {  	v4 =	vperm.xlane v4, v1;
	_ =	sdelay $0x1  }
0xb5: {  	v3 =	vmax.f32 v3, v4;
	v2 =	vmin.f32 v2, v4  }
0xb6: {  	[tilespmem:$0xD10] =	vst v3  }
0xb7: {  	v4 =	vld [tilespmem:$0xD08];
	[tilespmem:$0xD90] =	vst v2  }
0xb8: {  	v5 =	vld [tilespmem:$0xD18]  }
0xb9: {  	v6 =	vld [tilespmem:$0xD88];
	_ =	sdelay $0x1  }
0xba: {  	v7 =	vld [tilespmem:$0xD98];
	_ =	sdelay $0x1  }
0xbb: {  	v4 =	vsel vm9, v5, v4  }
0xbc: {  	v5 =	vmax.f32 v3, v4;
	v3 =	vmin.f32 v3, v4  }
0xbd: {  	v3 =	vsel vm9, v3, v5  }
0xbe: {  	s25 =	sshra.s32 s25, $0x2;
	[tilespmem:$0xD10] =	vst v3;
	v4 =	vsel vm9, v7, v6  }
0xbf: {  	v5 =	vld [tilespmem:$0xD0C];
	v6 =	vmax.f32 v2, v4;
	v2 =	vmin.f32 v2, v4  }
0xc0: {  	v4 =	vld [tilespmem:$0xD14];
	v2 =	vsel vm9, v2, v6  }
0xc1: {  	[tilespmem:$0xD90] =	vst v2  }
0xc2: {  	v6 =	vld [tilespmem:$0xD8C]  }
0xc3: {  	v7 =	vld [tilespmem:$0xD94];
	_ =	sdelay $0x1  }
0xc4: {  	v4 =	vsel vm5, v4, v5  }
0xc5: {  	v5 =	vmax.f32 v3, v4;
	v3 =	vmin.f32 v3, v4  }
0xc6: {  	v3 =	vsel vm5, v3, v5  }
0xc7: {  	[tilespmem:$0xD10] =	vst v3;
	v4 =	vsel vm5, v7, v6  }
0xc8: {  	v5 =	vld [tilespmem:$0xD0E];
	v6 =	vmax.f32 v2, v4;
	v2 =	vmin.f32 v2, v4  }
0xc9: {  	v4 =	vld [tilespmem:$0xD12];
	v2 =	vsel vm5, v2, v6  }
0xca: {  	[tilespmem:$0xD90] =	vst v2  }
0xcb: {  	v6 =	vld [tilespmem:$0xD8E]  }
0xcc: {  	v7 =	vld [tilespmem:$0xD92];
	_ =	sdelay $0x1  }
0xcd: {  	v4 =	vsel vm2, v4, v5  }
0xce: {  	v5 =	vmax.f32 v3, v4;
	v3 =	vmin.f32 v3, v4  }
0xcf: {  	v3 =	vsel vm2, v3, v5  }
0xd0: {  	[tilespmem:$0xD10] =	vst v3;
	v4 =	vsel vm2, v7, v6  }
0xd1: {  	v5 =	vld [tilespmem:$0xD0F];
	v6 =	vmax.f32 v2, v4;
	v2 =	vmin.f32 v2, v4  }
0xd2: {  	v4 =	vld [tilespmem:$0xD11];
	v6 =	vsel vm2, v2, v6  }
0xd3: {  	[tilespmem:$0xD90] =	vst v6  }
0xd4: {  	v7 =	vld [tilespmem:$0xD8F]  }
0xd5: {  	v8 =	vld [tilespmem:s25+$0x0]  }
0xd6: {  	v9 =	vld [tilespmem:$0xD91]  }
0xd7: {  	v2 =	vsel vm0, v4, v5  }
0xd8: {  	v4 =	vmax.f32 v3, v2;
	v2 =	vmin.f32 v3, v2  }
0xd9: {  	v2 =	vsel vm0, v2, v4  }
0xda: {  	[tilespmem:$0xB10] =	vst v8  }
0xdb: {  	v4 =	vld [tilespmem:$0xB11];
	v3 =	vsel vm0, v9, v7  }
0xdc: {  	v5 =	vld [tilespmem:$0xB0F];
	v7 =	vmax.f32 v6, v3;
	v3 =	vmin.f32 v6, v3  }
0xdd: {  	v3 =	vsel vm0, v3, v7;
	_ =	sdelay $0x3  }
0xde: {  	v4 =	vsel vm0, v4, v5  }
0xdf: {  	v5 =	vmax.f32 v8, v4;
	v4 =	vmin.f32 v8, v4  }
0xe0: {  	v4 =	vsel vm1, v4, v5  }
0xe1: {  	[tilespmem:$0xB10] =	vst v4  }
0xe2: {  	v5 =	vld [tilespmem:$0xB0E]  }
0xe3: {  	v6 =	vld [tilespmem:$0xB12];
	_ =	sdelay $0x4  }
0xe4: {  	v5 =	vsel vm2, v6, v5  }
0xe5: {  	v6 =	vmax.f32 v4, v5;
	v4 =	vmin.f32 v4, v5  }
0xe6: {  	v4 =	vsel vm3, v4, v6  }
0xe7: {  	[tilespmem:$0xB10] =	vst v4  }
0xe8: {  	v5 =	vld [tilespmem:$0xB0F]  }
0xe9: {  	v6 =	vld [tilespmem:$0xB11];
	_ =	sdelay $0x4  }
0xea: {  	v5 =	vsel vm0, v6, v5  }
0xeb: {  	v6 =	vmax.f32 v4, v5;
	v4 =	vmin.f32 v4, v5  }
0xec: {  	v4 =	vsel vm4, v4, v6  }
0xed: {  	[tilespmem:$0xB10] =	vst v4  }
0xee: {  	v5 =	vld [tilespmem:$0xB0C]  }
0xef: {  	v6 =	vld [tilespmem:$0xB14];
	_ =	sdelay $0x4  }
0xf0: {  	v5 =	vsel vm5, v6, v5  }
0xf1: {  	v6 =	vmax.f32 v4, v5;
	v4 =	vmin.f32 v4, v5  }
0xf2: {  	v4 =	vsel vm6, v4, v6  }
0xf3: {  	[tilespmem:$0xB10] =	vst v4  }
0xf4: {  	v5 =	vld [tilespmem:$0xB0E]  }
0xf5: {  	v6 =	vld [tilespmem:$0xB12];
	_ =	sdelay $0x4  }
0xf6: {  	v5 =	vsel vm2, v6, v5  }
0xf7: {  	v6 =	vmax.f32 v4, v5;
	v4 =	vmin.f32 v4, v5  }
0xf8: {  	v4 =	vsel vm7, v4, v6  }
0xf9: {  	[tilespmem:$0xB10] =	vst v4  }
0xfa: {  	v5 =	vld [tilespmem:$0xB0F]  }
0xfb: {  	v6 =	vld [tilespmem:$0xB11];
	_ =	sdelay $0x4  }
0xfc: {  	v5 =	vsel vm0, v6, v5  }
0xfd: {  	v6 =	vmax.f32 v4, v5;
	v4 =	vmin.f32 v4, v5  }
0xfe: {  	v4 =	vsel vm8, v4, v6  }
0xff: {  	[tilespmem:$0xB10] =	vst v4  }
0x100: {  	v5 =	vld [tilespmem:$0xB08]  }
0x101: {  	v6 =	vld [tilespmem:$0xB18];
	_ =	sdelay $0x4  }
0x102: {  	v5 =	vsel vm9, v6, v5  }
0x103: {  	v6 =	vmax.f32 v4, v5;
	v4 =	vmin.f32 v4, v5  }
0x104: {  	v4 =	vsel vm9, v4, v6  }
0x105: {  	[tilespmem:$0xB10] =	vst v4  }
0x106: {  	v5 =	vld [tilespmem:$0xB0C]  }
0x107: {  	v6 =	vld [tilespmem:$0xB14];
	_ =	sdelay $0x4  }
0x108: {  	v5 =	vsel vm5, v6, v5  }
0x109: {  	v6 =	vmax.f32 v4, v5;
	v4 =	vmin.f32 v4, v5  }
0x10a: {  	v4 =	vsel vm5, v4, v6  }
0x10b: {  	[tilespmem:$0xB10] =	vst v4  }
0x10c: {  	v5 =	vld [tilespmem:$0xB0E]  }
0x10d: {  	v6 =	vld [tilespmem:$0xB12];
	_ =	sdelay $0x4  }
0x10e: {  	v5 =	vsel vm2, v6, v5  }
0x10f: {  	v6 =	vmax.f32 v4, v5;
	v4 =	vmin.f32 v4, v5  }
0x110: {  	v4 =	vsel vm2, v4, v6  }
0x111: {  	[tilespmem:$0xB10] =	vst v4  }
0x112: {  	v5 =	vld [tilespmem:s25+$0x10]  }
0x113: {  	v6 =	vld [tilespmem:$0xB0F]  }
0x114: {  	v7 =	vld [tilespmem:$0xB11];
	_ =	sdelay $0x2  }
0x115: {  	[tilespmem:$0xB90] =	vst v5  }
0x116: {  	v8 =	vld [tilespmem:$0xB8F]  }
0x117: {  	v6 =	vsel vm0, v7, v6;
	v7 =	vld [tilespmem:$0xB91]  }
0x118: {  	v9 =	vmax.f32 v4, v6;
	v4 =	vmin.f32 v4, v6  }
0x119: {  	v4 =	vsel vm0, v4, v9  }
0x11a: {  	v4 =	vperm.xlane v4, v1;
	_ =	sdelay $0x1  }
0x11b: {  	v6 =	vsel vm0, v7, v8;
	v2 =	vmax.f32 v2, v4;
	v3 =	vmin.f32 v3, v4  }
0x11c: {  	v4 =	vmax.f32 v5, v6;
	v5 =	vmin.f32 v5, v6;
	[tilespmem:$0xC10] =	vst v2  }
0x11d: {  	v4 =	vsel vm1, v5, v4;
	v5 =	vld [tilespmem:$0xC08];
	[tilespmem:$0xC90] =	vst v3  }
0x11e: {  	[tilespmem:$0xB90] =	vst v4;
	v6 =	vld [tilespmem:$0xC88]  }
0x11f: {  	v7 =	vld [tilespmem:$0xB8E]  }
0x120: {  	v8 =	vld [tilespmem:$0xB92]  }
0x121: {  	v9 =	vld [tilespmem:$0xC98]  }
0x122: {  	v10 =	vld [tilespmem:$0xC18];
	_ =	sdelay $0x2  }
0x123: {  	v7 =	vsel vm2, v8, v7  }
0x124: {  	v8 =	vmax.f32 v4, v7;
	v4 =	vmin.f32 v4, v7;
	v6 =	vsel vm9, v9, v6  }
0x125: {  	v4 =	vsel vm3, v4, v8;
	v5 =	vsel vm9, v10, v5;
	v7 =	vmin.f32 v3, v6  }
0x126: {  	v3 =	vmax.f32 v3, v6;
	[tilespmem:$0xB90] =	vst v4;
	v8 =	vmax.f32 v2, v5;
	v2 =	vmin.f32 v2, v5  }
0x127: {  	v3 =	vsel vm9, v7, v3;
	v5 =	vld [tilespmem:$0xB8F];
	v2 =	vsel vm9, v2, v8  }
0x128: {  	v6 =	vld [tilespmem:$0xB91];
	[tilespmem:$0xC90] =	vst v3  }
0x129: {  	[tilespmem:$0xC10] =	vst v2;
	v7 =	vld [tilespmem:$0xC94]  }
0x12a: {  	v8 =	vld [tilespmem:$0xC14]  }
0x12b: {  	v9 =	vld [tilespmem:$0xC0C]  }
0x12c: {  	v10 =	vld [tilespmem:$0xC8C]  }
0x12d: {  	v5 =	vsel vm0, v6, v5  }
0x12e: {  	v6 =	vmax.f32 v4, v5;
	v4 =	vmin.f32 v4, v5  }
0x12f: {  	v4 =	vsel vm4, v4, v6  }
0x130: {  	[tilespmem:$0xB90] =	vst v4;
	v5 =	vsel vm5, v8, v9  }
0x131: {  	v6 =	vld [tilespmem:$0xB8C];
	v8 =	vmax.f32 v2, v5;
	v2 =	vmin.f32 v2, v5;
	v5 =	vsel vm5, v7, v10  }
0x132: {  	v7 =	vld [tilespmem:$0xB94];
	v2 =	vsel vm5, v2, v8;
	v8 =	vmax.f32 v3, v5;
	v3 =	vmin.f32 v3, v5  }
0x133: {  	[tilespmem:$0xC10] =	vst v2;
	v3 =	vsel vm5, v3, v8  }
0x134: {  	v5 =	vld [tilespmem:$0xC0E];
	[tilespmem:$0xC90] =	vst v3  }
0x135: {  	v8 =	vld [tilespmem:$0xC8E]  }
0x136: {  	v9 =	vld [tilespmem:$0xC12]  }
0x137: {  	v6 =	vsel vm5, v7, v6;
	v7 =	vld [tilespmem:$0xC92]  }
0x138: {  	v10 =	vmax.f32 v4, v6;
	v4 =	vmin.f32 v4, v6  }
0x139: {  	v4 =	vsel vm6, v4, v10  }
0x13a: {  	[tilespmem:$0xB90] =	vst v4  }
0x13b: {  	v6 =	vld [tilespmem:$0xB8E];
	v5 =	vsel vm2, v9, v5  }
0x13c: {  	v9 =	vld [tilespmem:$0xB92];
	v10 =	vmax.f32 v2, v5;
	v2 =	vmin.f32 v2, v5;
	v5 =	vsel vm2, v7, v8  }
0x13d: {  	v2 =	vsel vm2, v2, v10;
	v7 =	vmax.f32 v3, v5;
	v3 =	vmin.f32 v3, v5  }
0x13e: {  	[tilespmem:$0xC10] =	vst v2;
	v3 =	vsel vm2, v3, v7  }
0x13f: {  	v5 =	vld [tilespmem:$0xC0F];
	[tilespmem:$0xC90] =	vst v3  }
0x140: {  	v7 =	vld [tilespmem:$0xC8F]  }
0x141: {  	v6 =	vsel vm2, v9, v6;
	v8 =	vld [tilespmem:$0xC91]  }
0x142: {  	v9 =	vmax.f32 v4, v6;
	v4 =	vmin.f32 v4, v6;
	v6 =	vld [tilespmem:$0xC11]  }
0x143: {  	v4 =	vsel vm7, v4, v9  }
0x144: {  	[tilespmem:$0xB90] =	vst v4  }
0x145: {  	v9 =	vld [tilespmem:$0xB8F]  }
0x146: {  	v10 =	vld [tilespmem:$0xB91];
	v7 =	vsel vm0, v8, v7  }
0x147: {  	v5 =	vsel vm0, v6, v5;
	v6 =	vmax.f32 v3, v7;
	v3 =	vmin.f32 v3, v7  }
0x148: {  	v7 =	vmax.f32 v2, v5;
	v5 =	vmin.f32 v2, v5;
	v2 =	vsel vm0, v3, v6  }
0x149: {  	v3 =	vsel vm0, v5, v7;
	_ =	sdelay $0x1  }
0x14a: {  	v5 =	vsel vm0, v10, v9  }
0x14b: {  	v6 =	vmax.f32 v4, v5;
	v4 =	vmin.f32 v4, v5  }
0x14c: {  	v4 =	vsel vm8, v4, v6  }
0x14d: {  	[tilespmem:$0xB90] =	vst v4  }
0x14e: {  	v5 =	vld [tilespmem:$0xB88]  }
0x14f: {  	v6 =	vld [tilespmem:$0xB98];
	_ =	sdelay $0x4  }
0x150: {  	v5 =	vsel vm9, v6, v5  }
0x151: {  	v6 =	vmax.f32 v4, v5;
	v4 =	vmin.f32 v4, v5  }
0x152: {  	v4 =	vsel vm9, v4, v6  }
0x153: {  	[tilespmem:$0xB90] =	vst v4  }
0x154: {  	v5 =	vld [tilespmem:$0xB8C]  }
0x155: {  	v6 =	vld [tilespmem:$0xB94];
	_ =	sdelay $0x4  }
0x156: {  	v5 =	vsel vm5, v6, v5  }
0x157: {  	v6 =	vmax.f32 v4, v5;
	v4 =	vmin.f32 v4, v5  }
0x158: {  	v4 =	vsel vm5, v4, v6  }
0x159: {  	[tilespmem:$0xB90] =	vst v4  }
0x15a: {  	v5 =	vld [tilespmem:$0xB8E]  }
0x15b: {  	v6 =	vld [tilespmem:$0xB92];
	_ =	sdelay $0x4  }
0x15c: {  	v5 =	vsel vm2, v6, v5  }
.Ltmp2:
0x15d: {  	v6 =	vmax.f32 v4, v5;
	v4 =	vmin.f32 v4, v5;
	(pc) =	sbr.rel @p1 .LBB2_2-.Ltmp2, $4  }
0x15e: {  	v4 =	vsel vm2, v4, v6  }
0x15f: {  	[tilespmem:$0xB90] =	vst v4  }
0x160: {  	v5 =	vld [tilespmem:$0xB8F]  }
0x161: {  	v6 =	vld [tilespmem:$0xB91]  }
0x162: {  	_ =	sdelay $0x3  }
0x163: {  	v5 =	vsel vm0, v6, v5  }
0x164: {  	v6 =	vmax.f32 v4, v5;
	v40 =	vmin.f32 v4, v5  }
0x165: {  	v4 =	vsel vm0, v40, v6  }
0x166: {  	v4 =	vperm.xlane v4, v1;
	_ =	sdelay $0x1  }
0x167: {  	v3 =	vmax.f32 v3, v4  }
0x168: {  	[tilespmem:$0xD10] =	vst v3  }
0x169: {  	v2 =	vmin.f32 v2, v4;
	v41 =	vld [tilespmem:$0xD08]  }
0x16a: {  	[tilespmem:$0xD90] =	vst v2;
	v42 =	vld [tilespmem:$0xD18]  }
0x16b: {  	v43 =	vld [tilespmem:$0xD88]  }
0x16c: {  	v7 =	vld [tilespmem:$0xD98];
	_ =	sdelay $0x2  }
0x16d: {  	v4 =	vsel vm9, v42, v41  }
0x16e: {  	v5 =	vmax.f32 v3, v4;
	v3 =	vmin.f32 v3, v4  }
0x16f: {  	v44 =	vsel vm9, v7, v43;
	v3 =	vsel vm9, v3, v5  }
0x170: {  	v45 =	vmax.f32 v2, v44;
	v2 =	vmin.f32 v2, v44;
	[tilespmem:$0xD10] =	vst v3  }
0x171: {  	v2 =	vsel vm9, v2, v45;
	v46 =	vld [tilespmem:$0xD0C]  }
0x172: {  	[tilespmem:$0xD90] =	vst v2;
	v47 =	vld [tilespmem:$0xD14]  }
0x173: {  	v48 =	vld [tilespmem:$0xD8C]  }
0x174: {  	v49 =	vld [tilespmem:$0xD94];
	_ =	sdelay $0x2  }
0x175: {  	v4 =	vsel vm5, v47, v46  }
0x176: {  	v5 =	vmax.f32 v3, v4;
	v3 =	vmin.f32 v3, v4  }
0x177: {  	v50 =	vsel vm5, v49, v48;
	v3 =	vsel vm5, v3, v5  }
0x178: {  	v51 =	vmax.f32 v2, v50;
	v2 =	vmin.f32 v2, v50;
	[tilespmem:$0xD10] =	vst v3  }
0x179: {  	v2 =	vsel vm5, v2, v51;
	v52 =	vld [tilespmem:$0xD0E]  }
0x17a: {  	[tilespmem:$0xD90] =	vst v2;
	v53 =	vld [tilespmem:$0xD12]  }
0x17b: {  	v54 =	vld [tilespmem:$0xD8E]  }
0x17c: {  	v55 =	vld [tilespmem:$0xD92];
	_ =	sdelay $0x2  }
0x17d: {  	v4 =	vsel vm2, v53, v52  }
0x17e: {  	v5 =	vmax.f32 v3, v4;
	v3 =	vmin.f32 v3, v4  }
0x17f: {  	v56 =	vsel vm2, v55, v54;
	v3 =	vsel vm2, v3, v5  }
0x180: {  	v57 =	vmax.f32 v2, v56;
	v2 =	vmin.f32 v2, v56;
	[tilespmem:$0xD10] =	vst v3  }
0x181: {  	v2 =	vsel vm2, v2, v57;
	v58 =	vld [tilespmem:$0xD0F]  }
0x182: {  	[tilespmem:$0xD90] =	vst v2;
	v59 =	vld [tilespmem:$0xD11]  }
0x183: {  	v60 =	vld [tilespmem:$0xD8F]  }
0x184: {  	v61 =	vld [tilespmem:$0xD91];
	_ =	sdelay $0x3  }
0x185: {  	v4 =	vsel vm0, v59, v58  }
0x186: {  	v62 =	vsel vm0, v61, v60;
	v5 =	vmax.f32 v3, v4;
	v3 =	vmin.f32 v3, v4  }
0x187: {  	v63 =	vmax.f32 v2, v62;
	v2 =	vmin.f32 v2, v62;
	v3 =	vsel vm0, v3, v5  }
0x188: {  	v2 =	vsel vm0, v2, v63;
	[tilespmem:$0x400] =	vst v3  }
0x189: {  	[tilespmem:$0x480] =	vst v2  }
0x18a: {  	[hbm4b:s7+s2] =	stream.linear.scatter [tilespmem:s14], [sflag:$0x1], $0x80, $0x38;
	[tilespmem:$0xE00] =	vst v63  }
0x18b: {  	_ =	swait.ge [sflag:s15], $0x80  }
0x18c: {  	[sflag:s15] =	ssyncset.done $0x0  }
0x18d: {  	[sflag:s15] =	ssyncadd.s32 $0xFFFFFF80  }
0x18e: {  	[hbm4b:s8+s2] =	stream.linear.scatter [tilespmem:s16], [sflag:$0x1], $0x80, $0x38;
	[tilespmem:$0xE00] =	vst v63  }
0x18f: {  	_ =	swait.ge [sflag:s15], $0x80  }
.Ltmp3:
0x190: {  	[sflag:s15] =	ssyncset.done $0x0;
	(pc) =	sbr.rel @p0 .LBB2_5-.Ltmp3, $3  }
0x191: {  	[sflag:s15] =	ssyncadd.s32 $0xFFFFFF80  }
0x192: {  	[bflag:$0x0] =	sbarrier.arrive $0xFFFF  }
0x193: {  	[bflag:$0x0] =	sbarrier.arrive $0xFFFF;
	_ =	sdelay $0x1  }
0x194: {  	[tilespmem:s17], [sflag:$0x1] =	stream.linear.gather [hbm4b:s9+s2], $0x200, $0x38;
	[tilespmem:$0xE00] =	vst v63  }
0x195: {  	_ =	swait.ge [sflag:s15], $0x200  }
0x196: {  	[sflag:s15] =	ssyncset.done $0x0  }
0x197: {  	[sflag:s15] =	ssyncadd.s32 $0xFFFFFE00  }
0x198: {  	[tilespmem:s18], [sflag:$0x1] =	stream.linear.gather [hbm4b:s10+s2], $0x200, $0x38;
	[tilespmem:$0xE00] =	vst v63  }
0x199: {  	_ =	swait.ge [sflag:s15], $0x200  }
0x19a: {  	[sflag:s15] =	ssyncset.done $0x0  }
0x19b: {  	[sflag:s15] =	ssyncadd.s32 $0xFFFFFE00  }
0x19c: {  	[tilespmem:s19], [sflag:$0x1] =	stream.linear.gather [hbm4b:s4+s2], $0x80, $0x38;
	[tilespmem:$0xE00] =	vst v63  }
0x19d: {  	_ =	swait.ge [sflag:s15], $0x80  }
0x19e: {  	[sflag:s15] =	ssyncset.done $0x0  }
0x19f: {  	[sflag:s15] =	ssyncadd.s32 $0xFFFFFF80  }
0x1a0: {  	[tilespmem:s20], [sflag:$0x1] =	stream.linear.gather [hbm4b:s1+s2], $0x80, $0x38;
	[tilespmem:$0xE00] =	vst v63  }
0x1a1: {  	_ =	swait.ge [sflag:s15], $0x80  }
0x1a2: {  	[sflag:s15] =	ssyncset.done $0x0  }
0x1a3: {  	[sflag:s15] =	ssyncadd.s32 $0xFFFFFF80  }
0x1a4: {  	[tilespmem:s21], [sflag:$0x1] =	stream.linear.gather [hbm4b:s5+s2], $0x80, $0x38;
	[tilespmem:$0xE00] =	vst v63  }
0x1a5: {  	_ =	swait.ge [sflag:s15], $0x80  }
0x1a6: {  	[sflag:s15] =	ssyncset.done $0x0  }
0x1a7: {  	[sflag:s15] =	ssyncadd.s32 $0xFFFFFF80  }
0x1a8: {  	v2 =	vld [tilespmem:$0x580];
	_ =	sdelay $0x1  }
0x1a9: {  	v3 =	vld [tilespmem:$0x500];
	_ =	sdelay $0x2  }
0x1aa: {  	v2 =	vperm.xlane v2, v1;
	_ =	sdelay $0x1  }
0x1ab: {  	v2 =	vmax.f32 v3, v2  }
0x1ac: {  	[tilespmem:$0xB10] =	vst v2  }
0x1ad: {  	v3 =	vld [tilespmem:$0xB08]  }
0x1ae: {  	v4 =	vld [tilespmem:$0xB18];
	_ =	sdelay $0x4  }
0x1af: {  	v3 =	vsel vm9, v4, v3  }
0x1b0: {  	v4 =	vmax.f32 v2, v3;
	v2 =	vmin.f32 v2, v3  }
0x1b1: {  	v2 =	vsel vm9, v2, v4  }
0x1b2: {  	[tilespmem:$0xB10] =	vst v2  }
0x1b3: {  	v3 =	vld [tilespmem:$0xB0C]  }
0x1b4: {  	v60 =	vld [tilespmem:$0xB14];
	_ =	sdelay $0x4  }
0x1b5: {  	v3 =	vsel vm5, v60, v3  }
0x1b6: {  	v4 =	vmax.f32 v2, v3;
	v2 =	vmin.f32 v2, v3  }
0x1b7: {  	v2 =	vsel vm5, v2, v4  }
0x1b8: {  	[tilespmem:$0xB10] =	vst v2  }
0x1b9: {  	v3 =	vld [tilespmem:$0xB0E]  }
0x1ba: {  	v61 =	vld [tilespmem:$0xB12];
	_ =	sdelay $0x1  }
0x1bb: {  	v5 =	vld [tilespmem:$0x780];
	_ =	sdelay $0x1  }
0x1bc: {  	v6 =	vld [tilespmem:$0x700]  }
0x1bd: {  	v3 =	vsel vm2, v61, v3  }
0x1be: {  	v4 =	vmax.f32 v2, v3;
	v2 =	vmin.f32 v2, v3  }
0x1bf: {  	v3 =	vperm.xlane v5, v1;
	v2 =	vsel vm2, v2, v4  }
0x1c0: {  	[tilespmem:$0xB10] =	vst v2  }
0x1c1: {  	v3 =	vmin.f32 v6, v3;
	v62 =	vld [tilespmem:$0xB0F]  }
0x1c2: {  	v63 =	vld [tilespmem:$0xB11];
	[tilespmem:$0xB10] =	vst v3  }
0x1c3: {  	v12 =	vld [tilespmem:$0xB08]  }
0x1c4: {  	v7 =	vld [tilespmem:$0xB18];
	_ =	sdelay $0x4  }
0x1c5: {  	v6 =	vsel vm9, v7, v12  }
0x1c6: {  	v7 =	vmax.f32 v3, v6;
	v3 =	vmin.f32 v3, v6  }
0x1c7: {  	v3 =	vsel vm9, v3, v7  }
0x1c8: {  	[tilespmem:$0xB10] =	vst v3  }
0x1c9: {  	v13 =	vld [tilespmem:$0xB0C]  }
0x1ca: {  	v14 =	vld [tilespmem:$0xB14];
	_ =	sdelay $0x4  }
0x1cb: {  	v6 =	vsel vm5, v14, v13  }
0x1cc: {  	v7 =	vmax.f32 v3, v6;
	v3 =	vmin.f32 v3, v6  }
0x1cd: {  	v3 =	vsel vm5, v3, v7  }
0x1ce: {  	v8 =	vld [tilespmem:$0x600];
	[tilespmem:$0xB10] =	vst v3  }
0x1cf: {  	v15 =	vld [tilespmem:$0xB0E]  }
0x1d0: {  	v16 =	vld [tilespmem:$0xB12];
	_ =	sdelay $0x4  }
0x1d1: {  	v17 =	vperm.xlane v8, v1;
	v6 =	vsel vm2, v16, v15  }
0x1d2: {  	v4 =	vsel vm0, v63, v62;
	v7 =	vmax.f32 v3, v6;
	v3 =	vmin.f32 v3, v6  }
0x1d3: {  	v5 =	vmax.f32 v2, v4;
	v2 =	vmin.f32 v2, v4;
	v3 =	vsel vm2, v3, v7  }
0x1d4: {  	v2 =	vsel vm0, v2, v5;
	[tilespmem:$0xB10] =	vst v3  }
0x1d5: {  	v2 =	vmax.f32 v2, v17;
	v18 =	vld [tilespmem:$0xB0F]  }
0x1d6: {  	v19 =	vld [tilespmem:$0xB11];
	[tilespmem:$0xB10] =	vst v2  }
0x1d7: {  	v20 =	vld [tilespmem:$0xB08]  }
0x1d8: {  	v21 =	vld [tilespmem:$0xB18];
	_ =	sdelay $0x4  }
0x1d9: {  	v4 =	vsel vm9, v21, v20  }
0x1da: {  	v7 =	vmax.f32 v2, v4;
	v2 =	vmin.f32 v2, v4  }
0x1db: {  	v2 =	vsel vm9, v2, v7  }
0x1dc: {  	[tilespmem:$0xB10] =	vst v2  }
0x1dd: {  	v22 =	vld [tilespmem:$0xB0C]  }
0x1de: {  	v23 =	vld [tilespmem:$0xB14];
	_ =	sdelay $0x4  }
0x1df: {  	v4 =	vsel vm5, v23, v22  }
0x1e0: {  	v7 =	vmax.f32 v2, v4;
	v2 =	vmin.f32 v2, v4  }
0x1e1: {  	v2 =	vsel vm5, v2, v7  }
0x1e2: {  	v26 =	vld [tilespmem:$0x800];
	[tilespmem:$0xB10] =	vst v2  }
0x1e3: {  	v24 =	vld [tilespmem:$0xB0E]  }
0x1e4: {  	v25 =	vld [tilespmem:$0xB12];
	_ =	sdelay $0x4  }
0x1e5: {  	v28 =	vperm.xlane v26, v1;
	v4 =	vsel vm2, v25, v24  }
0x1e6: {  	v27 =	vsel vm0, v19, v18;
	v7 =	vmax.f32 v2, v4;
	v2 =	vmin.f32 v2, v4  }
0x1e7: {  	v5 =	vmax.f32 v3, v27;
	v3 =	vmin.f32 v3, v27;
	v2 =	vsel vm2, v2, v7  }
0x1e8: {  	v3 =	vsel vm0, v3, v5;
	[tilespmem:$0xB10] =	vst v2  }
0x1e9: {  	v3 =	vmin.f32 v3, v28;
	v29 =	vld [tilespmem:$0xB0F]  }
0x1ea: {  	v30 =	vld [tilespmem:$0xB11];
	[tilespmem:$0xB10] =	vst v3  }
0x1eb: {  	v31 =	vld [tilespmem:$0xB08]  }
0x1ec: {  	v32 =	vld [tilespmem:$0xB18];
	_ =	sdelay $0x4  }
0x1ed: {  	v4 =	vsel vm9, v32, v31  }
0x1ee: {  	v7 =	vmax.f32 v3, v4;
	v3 =	vmin.f32 v3, v4  }
0x1ef: {  	v3 =	vsel vm9, v3, v7  }
0x1f0: {  	[tilespmem:$0xB10] =	vst v3  }
0x1f1: {  	v33 =	vld [tilespmem:$0xB0C]  }
0x1f2: {  	v34 =	vld [tilespmem:$0xB14];
	_ =	sdelay $0x4  }
0x1f3: {  	v4 =	vsel vm5, v34, v33  }
0x1f4: {  	v7 =	vmax.f32 v3, v4;
	v3 =	vmin.f32 v3, v4  }
0x1f5: {  	v3 =	vsel vm5, v3, v7  }
0x1f6: {  	v37 =	vld [tilespmem:$0x680];
	[tilespmem:$0xB10] =	vst v3  }
0x1f7: {  	v35 =	vld [tilespmem:$0xB0E]  }
0x1f8: {  	v36 =	vld [tilespmem:$0xB12];
	_ =	sdelay $0x4  }
0x1f9: {  	v39 =	vperm.xlane v37, v1;
	v4 =	vsel vm2, v36, v35  }
0x1fa: {  	v38 =	vsel vm0, v30, v29;
	v7 =	vmax.f32 v3, v4;
	v3 =	vmin.f32 v3, v4  }
0x1fb: {  	v5 =	vmax.f32 v2, v38;
	v2 =	vmin.f32 v2, v38;
	v3 =	vsel vm2, v3, v7  }
0x1fc: {  	v2 =	vsel vm0, v2, v5;
	[tilespmem:$0xB10] =	vst v3  }
0x1fd: {  	v2 =	vmax.f32 v2, v39;
	v40 =	vld [tilespmem:$0xB0F]  }
0x1fe: {  	v41 =	vld [tilespmem:$0xB11];
	[tilespmem:$0xB10] =	vst v2  }
0x1ff: {  	v42 =	vld [tilespmem:$0xB08]  }
0x200: {  	v43 =	vld [tilespmem:$0xB18];
	_ =	sdelay $0x4  }
0x201: {  	v4 =	vsel vm9, v43, v42  }
0x202: {  	v7 =	vmax.f32 v2, v4;
	v2 =	vmin.f32 v2, v4  }
0x203: {  	v2 =	vsel vm9, v2, v7  }
0x204: {  	[tilespmem:$0xB10] =	vst v2  }
0x205: {  	v44 =	vld [tilespmem:$0xB0C]  }
0x206: {  	v45 =	vld [tilespmem:$0xB14];
	_ =	sdelay $0x4  }
0x207: {  	v4 =	vsel vm5, v45, v44  }
0x208: {  	v7 =	vmax.f32 v2, v4;
	v2 =	vmin.f32 v2, v4  }
0x209: {  	v2 =	vsel vm5, v2, v7  }
0x20a: {  	v48 =	vld [tilespmem:$0x880];
	[tilespmem:$0xB10] =	vst v2  }
0x20b: {  	v46 =	vld [tilespmem:$0xB0E]  }
0x20c: {  	v47 =	vld [tilespmem:$0xB12];
	_ =	sdelay $0x4  }
0x20d: {  	v50 =	vperm.xlane v48, v1;
	v4 =	vsel vm2, v47, v46  }
0x20e: {  	v49 =	vsel vm0, v41, v40;
	v7 =	vmax.f32 v2, v4;
	v2 =	vmin.f32 v2, v4  }
0x20f: {  	v5 =	vmax.f32 v3, v49;
	v3 =	vmin.f32 v3, v49;
	v2 =	vsel vm2, v2, v7  }
0x210: {  	v3 =	vsel vm0, v3, v5;
	[tilespmem:$0xB10] =	vst v2  }
0x211: {  	v3 =	vmin.f32 v3, v50;
	v51 =	vld [tilespmem:$0xB0F]  }
0x212: {  	v52 =	vld [tilespmem:$0xB11];
	[tilespmem:$0xB10] =	vst v3  }
0x213: {  	v53 =	vld [tilespmem:$0xB08]  }
0x214: {  	v54 =	vld [tilespmem:$0xB18];
	_ =	sdelay $0x4  }
0x215: {  	v4 =	vsel vm9, v54, v53  }
0x216: {  	v7 =	vmax.f32 v3, v4;
	v3 =	vmin.f32 v3, v4  }
0x217: {  	v3 =	vsel vm9, v3, v7  }
0x218: {  	[tilespmem:$0xB10] =	vst v3  }
0x219: {  	v55 =	vld [tilespmem:$0xB0C]  }
0x21a: {  	v56 =	vld [tilespmem:$0xB14];
	_ =	sdelay $0x4  }
0x21b: {  	v4 =	vsel vm5, v56, v55  }
0x21c: {  	v7 =	vmax.f32 v3, v4;
	v3 =	vmin.f32 v3, v4  }
0x21d: {  	v3 =	vsel vm5, v3, v7  }
0x21e: {  	[tilespmem:$0xB10] =	vst v3  }
0x21f: {  	v57 =	vld [tilespmem:$0xB0E]  }
0x220: {  	v58 =	vld [tilespmem:$0xB12];
	_ =	sdelay $0x4  }
0x221: {  	v4 =	vsel vm2, v58, v57  }
0x222: {  	v7 =	vmax.f32 v3, v4;
	v3 =	vmin.f32 v3, v4  }
0x223: {  	v3 =	vsel vm2, v3, v7  }
0x224: {  	[tilespmem:$0xB10] =	vst v3  }
0x225: {  	v59 =	vld [tilespmem:$0xB0F]  }
0x226: {  	v60 =	vld [tilespmem:$0xB11];
	_ =	sdelay $0x1  }
0x227: {  	v9 =	vld [tilespmem:$0x980]  }
0x228: {  	v61 =	vld [tilespmem:$0x900]  }
0x229: {  	v5 =	vsel vm0, v52, v51  }
0x22a: {  	v6 =	vmax.f32 v2, v5;
	v4 =	vsel vm0, v60, v59  }
0x22b: {  	v2 =	vmin.f32 v2, v5;
	v62 =	vmax.f32 v3, v4;
	v3 =	vmin.f32 v3, v4  }
0x22c: {  	v63 =	vld [tilespmem:$0xA00];
	v2 =	vsel vm0, v2, v6;
	v3 =	vsel vm0, v3, v62  }
0x22d: {  	v2 =	vmul.f32 v61, v2;
	v3 =	vmul.f32 v3, v9;
	_ =	sdelay $0x1  }
0x22e: {  	v2 =	vadd.f32 v3, v2;
	_ =	sdelay $0x1  }
0x22f: {  	v2 =	vadd.f32 v2, v63;
	_ =	sdelay $0x1  }
.Ltmp4:
0x230: {  	[tilespmem:$0xA80] =	vst v2;
	(pc) =	sbr.rel .LBB2_5-.Ltmp4, $4  }
0x231: {  	[hbm4b:s11+s2] =	stream.linear.scatter [tilespmem:s22], [sflag:$0x1], $0x80, $0x38;
	[tilespmem:$0xE00] =	vst v63  }
0x232: {  	_ =	swait.ge [sflag:s15], $0x80  }
0x233: {  	[sflag:s15] =	ssyncset.done $0x0  }
0x234: {  	[sflag:s15] =	ssyncadd.s32 $0xFFFFFF80  }
.LBB2_6:
0x235: {  	_ =	sfence.sel $0x180000  }
0x236: {  	[bflag:$0x0] =	sbarrier.arrive $0xFFFF  }
0x237: {  	p0 =	sne.s32 s3, $0x0;
	_ =	strace $0x90000047  }
0x238: {  	s0 =	sadd.s32 @!p0 $0x100000, s0;
	[bflag:$0x2] =	sbarrier.arrive $0xFFFF  }
0x239: {  	[sflag:s0] =	ssyncadd.tile.s32 @!p0 $0x1;
	_ =	shalt  }
.Lfunc_end2:
_tile_overlayer_lowered:
.L_overlay_start_2:
0x23a: {  	(tag) =	ssettag $0x2  }
0x23b: {  	s0 =	rddreg [dreg:$0x0];
	s2 =	stileid.u32  }
0x23c: {  	s1 =	rddreg [dreg:$0x1];
	p0 =	sne.s32 s2, $0x0  }
0x23d: {  	s3 =	rddreg [dreg:$0x2];
	[bflag:$0x3] =	sbarrier.arrive $0xFFFF;
	s2 =	simm.s32 @!p0 $0x1C01  }
0x23e: {  	[timem:s3], [sflag:s2] =	dma.local @!p0 [hbm:s0], s1  }
0x23f: {  	s0 =	simm.s32 @!p0 $0x1  }
0x240: {  	_ =	swait.ge @!p0 [sflag:s0], s1  }
0x241: {  	s1 =	ssub.s32 @!p0 $0x0, s1;
	[sflag:s0] =	ssyncset.done @!p0 $0x0  }
0x242: {  	[sflag:s0] =	ssyncadd.s32 @!p0 s1  }
0x243: {  	[bflag:$0x3] =	sbarrier.arrive $0xFFFF  }
0x244: {  	_ =	shalt  }

</sc_bundles>
